<compile_context>
chip_gen: v7x
topology: tpu7x:2x2x1
jax: 0.10.2.dev20260603
libtpu: 0.0.44.dev20260713+nightly
codegen_flags: <defaults>
</compile_context>

<pallas_src>
import functools

import jax
import jax.numpy as jnp
from jax import lax
from jax.experimental import pallas as pl
from jax.experimental.pallas import tpu as pltpu
from jax.experimental.pallas import tpu_sc as plsc

_N = 10000
_NP = 10240
_E = 320000
_D = 128
_NC = 2
_NS = 16
_NW = _NC * _NS
_K = 100
_CPW = _E // (_NW * _K)


def _mm_body(x_ref, w_ref, o_ref):
    o_ref[...] = jnp.dot(x_ref[...], w_ref[...],
                         preferred_element_type=jnp.float32)


def _matmul(x, W):
    return pl.pallas_call(
        _mm_body,
        grid=(10,),
        in_specs=[
            pl.BlockSpec((_N // 10, _D), lambda i: (i, 0)),
            pl.BlockSpec((_D, _D), lambda i: (0, 0)),
        ],
        out_specs=pl.BlockSpec((_N // 10, _D), lambda i: (i, 0)),
        out_shape=jax.ShapeDtypeStruct((_N, _D), jnp.float32),
    )(x, W)


_sc_mesh = plsc.VectorSubcoreMesh(core_axis_name="c", subcore_axis_name="s")


@functools.partial(
    pl.kernel,
    out_type=jax.ShapeDtypeStruct((_NC, _N, _D), jnp.float32),
    mesh=_sc_mesh,
    scratch_types=[
        pltpu.VMEM((1, _K), jnp.int32),
        pltpu.VMEM((1, _K), jnp.int32),
        pltpu.VMEM((_CPW, _K), jnp.int32),
        pltpu.VMEM((_K, _D), jnp.float32),
        pltpu.VMEM((_K, _D), jnp.float32),
        pltpu.VMEM_SHARED((_N, _D), jnp.float32),
        pltpu.SemaphoreType.DMA,
        pltpu.SemaphoreType.DMA,
        pltpu.SemaphoreType.DMA,
        pltpu.SemaphoreType.DMA,
        pltpu.SemaphoreType.DMA,
        pltpu.SemaphoreType.DMA,
        pltpu.SemaphoreType.DMA,
    ],
)
def _sc_agg(src_hbm, dst_hbm, xw_hbm, zrow_hbm, out_hbm,
            src_a, src_b, dst_v, rows_a, rows_b, acc,
            si_a, si_b, sg_a, sg_b, ss_a, ss_b, sd):
    cid = lax.axis_index("c")
    sid = lax.axis_index("s")
    w = cid * _NS + sid

    pltpu.async_copy(dst_hbm.at[w], dst_v, sd)

    @pl.when(sid < 10)
    def _():
        pltpu.sync_copy(zrow_hbm, acc.at[pl.ds(sid * 1000, 1000)])

    pltpu.make_async_copy(dst_hbm.at[w], dst_v, sd).wait()

    def _iload(c, ibuf, sem):
        pltpu.async_copy(src_hbm.at[w * _CPW + c], ibuf, sem)

    def _iwait(c, ibuf, sem):
        pltpu.make_async_copy(src_hbm.at[w * _CPW + c], ibuf, sem).wait()

    def _gather(ibuf, rows, sem):
        pltpu.async_copy(xw_hbm.at[ibuf.at[0]], rows, sem)

    def _gwait(ibuf, rows, sem):
        pltpu.make_async_copy(xw_hbm.at[ibuf.at[0]], rows, sem).wait()

    def _scat_async(c, rows, sem):
        return pltpu.async_copy(rows, acc.at[dst_v.at[c]], sem, add=True)

    plsc.subcore_barrier()

    _iload(0, src_a, si_a)
    _iload(1, src_b, si_b)
    _iwait(0, src_a, si_a)
    _gather(src_a, rows_a, sg_a)
    _gwait(src_a, rows_a, sg_a)
    _iload(2, src_a, si_a)

    def _half(j, sc, rc, ssem, sn, rn, gsem, isem, ld):
        sd = _scat_async(j, rc, ssem)
        _iwait(j + 1, sn, isem)
        _gather(sn, rn, gsem)
        sd.wait()
        _gwait(sn, rn, gsem)
        if ld:
            _iload(j + 3, sn, isem)

    def _body(i, carry):
        j = 2 * i
        _half(j, src_a, rows_a, ss_a, src_b, rows_b, sg_b, si_b, True)
        _half(j + 1, src_b, rows_b, ss_b, src_a, rows_a, sg_a, si_a, True)
        return carry

    lax.fori_loop(0, (_CPW - 4) // 2, _body, 0)

    _half(_CPW - 4, src_a, rows_a, ss_a, src_b, rows_b, sg_b, si_b, True)
    _half(_CPW - 3, src_b, rows_b, ss_b, src_a, rows_a, sg_a, si_a, False)
    _half(_CPW - 2, src_a, rows_a, ss_a, src_b, rows_b, sg_b, si_b, False)
    _scat_async(_CPW - 1, rows_b, ss_b).wait()

    plsc.subcore_barrier()

    @pl.when(sid < 10)
    def _():
        pltpu.sync_copy(acc.at[pl.ds(sid * 1000, 1000)],
                        out_hbm.at[cid, pl.ds(sid * 1000, 1000)])


def _cb_body(p_ref, o_ref):
    o_ref[...] = jnp.maximum(p_ref[0] + p_ref[1], 0.0)


def _combine(partials):
    return pl.pallas_call(
        _cb_body,
        grid=(10,),
        in_specs=[pl.BlockSpec((_NC, _N // 10, _D), lambda i: (0, i, 0))],
        out_specs=pl.BlockSpec((_N // 10, _D), lambda i: (i, 0)),
        out_shape=jax.ShapeDtypeStruct((_N, _D), jnp.float32),
    )(partials)


def kernel(x, edge_index, W):
    xw = _matmul(x, W)
    ei = edge_index.astype(jnp.int32)
    src = ei[0].reshape(_NW * _CPW, 1, _K)
    dst = ei[1].reshape(_NW, _CPW, _K)
    zrow = jnp.zeros((1000, _D), jnp.float32)
    partials = _sc_agg(src, dst, xw, zrow)
    return _combine(partials)

# --- scband reference (transcript-rebuilt; emitter-appended) ---
"""Pipeline reference for scband-graph-conv-6846177870229 (READ-ONLY COPY).

The authoritative reference and input builder live on the scoring server;
editing this copy changes nothing except your own understanding.
"""

import jax, jax.numpy as jnp
import numpy as np

N_NODES = 10000
N_EDGES = 320000
D_IN = 128
D_OUT = 128


def setup_inputs(seed: int = 0) -> dict:
    key = jax.random.key(seed)
    k1, k2, k3 = jax.random.split(key, 3)
    x = jax.random.normal(k1, (N_NODES, D_IN), dtype=jnp.float32)
    edge_index = jax.random.randint(k2, (2, N_EDGES), 0, N_NODES, dtype=jnp.int64)
    # Glorot-style init for the layer weight, as in the original GCN implementation
    limit = float(np.sqrt(6.0 / (D_IN + D_OUT)))
    W = jax.random.uniform(k3, (D_IN, D_OUT), dtype=jnp.float32, minval=-limit, maxval=limit)
    return {"x": x, "edge_index": edge_index, "W": W}


def reference(x, edge_index, W):
    # GraphConv forward (dropout=0.0, bias=False, activation=relu, featureless=False):
    #   1) dense transform: xw = x @ W
    #   2) aggregate over edges (support @ xw as sparse matmul):
    #      gather source features, scatter-add into destination nodes
    #   3) activation
    xw = jnp.dot(x, W)                                  # [N, D_OUT]
    src = edge_index[0]
    dst = edge_index[1]
    msgs = jnp.take(xw, src, axis=0)                    # gather  [E, D_OUT]
    agg = jax.ops.segment_sum(msgs, dst, num_segments=N_NODES)  # scatter-add [N, D_OUT]
    out = jax.nn.relu(agg)
    return out

if __name__ == "__main__":
    import jax
    _d = setup_inputs()
    print(jax.jit(kernel)(*tuple(_d.values())))

</pallas_src>

<mosaic_0001>
#map = affine_map<(d0, d1) -> (0, 0, 0)>
#map1 = affine_map<(d0, d1) -> (0, 0)>
module attributes {stable_mosaic.version = 14 : i64} {
  func.func @_sc_agg(%arg0: i32, %arg1: i32, %arg2: memref<3200x1x100xi32, #tpu.memory_space<hbm>>, %arg3: memref<32x100x100xi32, #tpu.memory_space<hbm>>, %arg4: memref<10000x128xf32, #tpu.memory_space<hbm>>, %arg5: memref<1000x128xf32, #tpu.memory_space<hbm>>, %arg6: memref<2x10000x128xf32, #tpu.memory_space<hbm>>, %arg7: memref<1x100xi32, #tpu.memory_space<vmem>>, %arg8: memref<1x100xi32, #tpu.memory_space<vmem>>, %arg9: memref<100x100xi32, #tpu.memory_space<vmem>>, %arg10: memref<100x128xf32, #tpu.memory_space<vmem>>, %arg11: memref<100x128xf32, #tpu.memory_space<vmem>>, %arg12: memref<10000x128xf32, #tpu.memory_space<vmem_shared>>, %arg13: memref<!tpu.dma_semaphore, #tpu.memory_space<semaphore_mem>>, %arg14: memref<!tpu.dma_semaphore, #tpu.memory_space<semaphore_mem>>, %arg15: memref<!tpu.dma_semaphore, #tpu.memory_space<semaphore_mem>>, %arg16: memref<!tpu.dma_semaphore, #tpu.memory_space<semaphore_mem>>, %arg17: memref<!tpu.dma_semaphore, #tpu.memory_space<semaphore_mem>>, %arg18: memref<!tpu.dma_semaphore, #tpu.memory_space<semaphore_mem>>, %arg19: memref<!tpu.dma_semaphore, #tpu.memory_space<semaphore_mem>>) attributes {dimension_semantics = [#tpu.dimension_semantics<core_parallel>, #tpu.dimension_semantics<subcore_parallel>], iteration_bounds = array<i64: 2, 16>, scalar_prefetch = 0 : i64, scratch_operands = 13 : i64, tpu.core_type = #tpu.core_type<sc_vector_subcore>, window_params = [{transform_indices = #map}, {transform_indices = #map}, {transform_indices = #map1}, {transform_indices = #map1}, {transform_indices = #map}]} {
    %mul3A = arith.constant 16 : i32
    %mul3A_0 = arith.muli %arg0, %mul3A : i32
    %add3A = arith.addi %mul3A_0, %arg1 : i32
    %dma_start3A = arith.constant 0 : i32
    %dma_start3A_1 = arith.constant 0 : i32
    %dma_start3A_2 = tpu.memref_slice %arg3[%add3A, %dma_start3A, %dma_start3A_1] : memref<32x100x100xi32, #tpu.memory_space<hbm>> -> memref<1x100x100xi32, #tpu.memory_space<hbm>>
    %dma_start3A_3 = tpu.memref_squeeze %dma_start3A_2 : memref<1x100x100xi32, #tpu.memory_space<hbm>> -> memref<100x100xi32, #tpu.memory_space<hbm>>
    %dma_start3A_4 = arith.constant 0 : i32
    %dma_start3A_5 = arith.constant 0 : i32
    %dma_start3A_6 = tpu.memref_slice %arg3[%add3A, %dma_start3A_4, %dma_start3A_5] : memref<32x100x100xi32, #tpu.memory_space<hbm>> -> memref<1x100x100xi32, #tpu.memory_space<hbm>>
    %dma_start3A_7 = tpu.memref_squeeze %dma_start3A_6 : memref<1x100x100xi32, #tpu.memory_space<hbm>> -> memref<100x100xi32, #tpu.memory_space<hbm>>
    tpu.enqueue_dma source(%dma_start3A_7 : memref<100x100xi32, #tpu.memory_space<hbm>>) target(%arg9 : memref<100x100xi32, #tpu.memory_space<vmem>>) target_semaphore(%arg19 : memref<!tpu.dma_semaphore, #tpu.memory_space<semaphore_mem>>)
    %lt3A = arith.constant 10 : i32
    %lt3A_8 = arith.cmpi slt, %arg1, %lt3A : i32
    %convert_element_type3A = arith.extui %lt3A_8 : i1 to i32
    %cond3A = arith.constant 0 : i32
    %cond3A_9 = arith.cmpi ne, %convert_element_type3A, %cond3A : i32
    scf.if %cond3A_9 {
      %mul3A_236 = arith.constant 1000 : i32
      %mul3A_237 = arith.muli %arg1, %mul3A_236 : i32
      "tpu.region"() ({
        %run_scoped3A = tpu.sem_alloc : memref<!tpu.dma_semaphore, #tpu.memory_space<semaphore_mem>>
        %dma_start3A_238 = arith.constant 0 : i32
        %dma_start3A_239 = tpu.memref_slice %arg12[%mul3A_237, %dma_start3A_238] : memref<10000x128xf32, #tpu.memory_space<vmem_shared>> -> memref<1000x128xf32, #tpu.memory_space<vmem_shared>>
        tpu.enqueue_dma source(%arg5 : memref<1000x128xf32, #tpu.memory_space<hbm>>) target(%dma_start3A_239 : memref<1000x128xf32, #tpu.memory_space<vmem_shared>>) target_semaphore(%run_scoped3A : memref<!tpu.dma_semaphore, #tpu.memory_space<semaphore_mem>>)
        %dma_wait3A_240 = arith.constant 0 : i32
        %dma_wait3A_241 = tpu.memref_slice %arg12[%mul3A_237, %dma_wait3A_240] : memref<10000x128xf32, #tpu.memory_space<vmem_shared>> -> memref<1000x128xf32, #tpu.memory_space<vmem_shared>>
        tpu.wait_dma2 semaphore(%run_scoped3A : memref<!tpu.dma_semaphore, #tpu.memory_space<semaphore_mem>>) src(%arg5 : memref<1000x128xf32, #tpu.memory_space<hbm>>) dst(%dma_wait3A_241 : memref<1000x128xf32, #tpu.memory_space<vmem_shared>>)
        tpu.yield
      }) : () -> ()
    } else {
    }
    %dma_wait3A = arith.constant 0 : i32
    %dma_wait3A_10 = arith.constant 0 : i32
    %dma_wait3A_11 = tpu.memref_slice %arg3[%add3A, %dma_wait3A, %dma_wait3A_10] : memref<32x100x100xi32, #tpu.memory_space<hbm>> -> memref<1x100x100xi32, #tpu.memory_space<hbm>>
    %dma_wait3A_12 = tpu.memref_squeeze %dma_wait3A_11 : memref<1x100x100xi32, #tpu.memory_space<hbm>> -> memref<100x100xi32, #tpu.memory_space<hbm>>
    %dma_wait3A_13 = arith.constant 0 : i32
    %dma_wait3A_14 = arith.constant 0 : i32
    %dma_wait3A_15 = tpu.memref_slice %arg3[%add3A, %dma_wait3A_13, %dma_wait3A_14] : memref<32x100x100xi32, #tpu.memory_space<hbm>> -> memref<1x100x100xi32, #tpu.memory_space<hbm>>
    %dma_wait3A_16 = tpu.memref_squeeze %dma_wait3A_15 : memref<1x100x100xi32, #tpu.memory_space<hbm>> -> memref<100x100xi32, #tpu.memory_space<hbm>>
    tpu.wait_dma2 semaphore(%arg19 : memref<!tpu.dma_semaphore, #tpu.memory_space<semaphore_mem>>) src(%dma_wait3A_16 : memref<100x100xi32, #tpu.memory_space<hbm>>) dst(%arg9 : memref<100x100xi32, #tpu.memory_space<vmem>>)
    %barrier3A = arith.constant 0 : index
    tpu.barrier barrier_id(%barrier3A)
    %mul3A_17 = arith.constant 100 : i32
    %mul3A_18 = arith.muli %add3A, %mul3A_17 : i32
    %add3A_19 = arith.constant 0 : i32
    %add3A_20 = arith.addi %mul3A_18, %add3A_19 : i32
    %dma_start3A_21 = arith.constant 0 : i32
    %dma_start3A_22 = arith.constant 0 : i32
    %dma_start3A_23 = tpu.memref_slice %arg2[%add3A_20, %dma_start3A_21, %dma_start3A_22] : memref<3200x1x100xi32, #tpu.memory_space<hbm>> -> memref<1x1x100xi32, #tpu.memory_space<hbm>>
    %dma_start3A_24 = tpu.memref_squeeze %dma_start3A_23 : memref<1x1x100xi32, #tpu.memory_space<hbm>> -> memref<1x100xi32, #tpu.memory_space<hbm>>
    %dma_start3A_25 = arith.constant 0 : i32
    %dma_start3A_26 = arith.constant 0 : i32
    %dma_start3A_27 = tpu.memref_slice %arg2[%add3A_20, %dma_start3A_25, %dma_start3A_26] : memref<3200x1x100xi32, #tpu.memory_space<hbm>> -> memref<1x1x100xi32, #tpu.memory_space<hbm>>
    %dma_start3A_28 = tpu.memref_squeeze %dma_start3A_27 : memref<1x1x100xi32, #tpu.memory_space<hbm>> -> memref<1x100xi32, #tpu.memory_space<hbm>>
    tpu.enqueue_dma source(%dma_start3A_28 : memref<1x100xi32, #tpu.memory_space<hbm>>) target(%arg7 : memref<1x100xi32, #tpu.memory_space<vmem>>) target_semaphore(%arg13 : memref<!tpu.dma_semaphore, #tpu.memory_space<semaphore_mem>>)
    %mul3A_29 = arith.constant 100 : i32
    %mul3A_30 = arith.muli %add3A, %mul3A_29 : i32
    %add3A_31 = arith.constant 1 : i32
    %add3A_32 = arith.addi %mul3A_30, %add3A_31 : i32
    %dma_start3A_33 = arith.constant 0 : i32
    %dma_start3A_34 = arith.constant 0 : i32
    %dma_start3A_35 = tpu.memref_slice %arg2[%add3A_32, %dma_start3A_33, %dma_start3A_34] : memref<3200x1x100xi32, #tpu.memory_space<hbm>> -> memref<1x1x100xi32, #tpu.memory_space<hbm>>
    %dma_start3A_36 = tpu.memref_squeeze %dma_start3A_35 : memref<1x1x100xi32, #tpu.memory_space<hbm>> -> memref<1x100xi32, #tpu.memory_space<hbm>>
    %dma_start3A_37 = arith.constant 0 : i32
    %dma_start3A_38 = arith.constant 0 : i32
    %dma_start3A_39 = tpu.memref_slice %arg2[%add3A_32, %dma_start3A_37, %dma_start3A_38] : memref<3200x1x100xi32, #tpu.memory_space<hbm>> -> memref<1x1x100xi32, #tpu.memory_space<hbm>>
    %dma_start3A_40 = tpu.memref_squeeze %dma_start3A_39 : memref<1x1x100xi32, #tpu.memory_space<hbm>> -> memref<1x100xi32, #tpu.memory_space<hbm>>
    tpu.enqueue_dma source(%dma_start3A_40 : memref<1x100xi32, #tpu.memory_space<hbm>>) target(%arg8 : memref<1x100xi32, #tpu.memory_space<vmem>>) target_semaphore(%arg14 : memref<!tpu.dma_semaphore, #tpu.memory_space<semaphore_mem>>)
    %mul3A_41 = arith.constant 100 : i32
    %mul3A_42 = arith.muli %add3A, %mul3A_41 : i32
    %add3A_43 = arith.constant 0 : i32
    %add3A_44 = arith.addi %mul3A_42, %add3A_43 : i32
    %dma_wait3A_45 = arith.constant 0 : i32
    %dma_wait3A_46 = arith.constant 0 : i32
    %dma_wait3A_47 = tpu.memref_slice %arg2[%add3A_44, %dma_wait3A_45, %dma_wait3A_46] : memref<3200x1x100xi32, #tpu.memory_space<hbm>> -> memref<1x1x100xi32, #tpu.memory_space<hbm>>
    %dma_wait3A_48 = tpu.memref_squeeze %dma_wait3A_47 : memref<1x1x100xi32, #tpu.memory_space<hbm>> -> memref<1x100xi32, #tpu.memory_space<hbm>>
    %dma_wait3A_49 = arith.constant 0 : i32
    %dma_wait3A_50 = arith.constant 0 : i32
    %dma_wait3A_51 = tpu.memref_slice %arg2[%add3A_44, %dma_wait3A_49, %dma_wait3A_50] : memref<3200x1x100xi32, #tpu.memory_space<hbm>> -> memref<1x1x100xi32, #tpu.memory_space<hbm>>
    %dma_wait3A_52 = tpu.memref_squeeze %dma_wait3A_51 : memref<1x1x100xi32, #tpu.memory_space<hbm>> -> memref<1x100xi32, #tpu.memory_space<hbm>>
    tpu.wait_dma2 semaphore(%arg13 : memref<!tpu.dma_semaphore, #tpu.memory_space<semaphore_mem>>) src(%dma_wait3A_52 : memref<1x100xi32, #tpu.memory_space<hbm>>) dst(%arg7 : memref<1x100xi32, #tpu.memory_space<vmem>>)
    %dma_start3A_53 = arith.constant 0 : i32
    %dma_start3A_54 = arith.constant 0 : i32
    %dma_start3A_55 = tpu.memref_slice %arg7[%dma_start3A_53, %dma_start3A_54] : memref<1x100xi32, #tpu.memory_space<vmem>> -> memref<1x100xi32, #tpu.memory_space<vmem>>
    %dma_start3A_56 = tpu.memref_squeeze %dma_start3A_55 : memref<1x100xi32, #tpu.memory_space<vmem>> -> memref<100xi32, #tpu.memory_space<vmem>>
    %dma_start3A_57 = arith.constant 0 : i32
    %dma_start3A_58 = arith.constant 0 : i32
    %dma_start3A_59 = tpu.memref_slice %arg4[%dma_start3A_57, %dma_start3A_58] : memref<10000x128xf32, #tpu.memory_space<hbm>> -> memref<10000x128xf32, #tpu.memory_space<hbm>>
    tpu.enqueue_indirect_dma source(%dma_start3A_59 : memref<10000x128xf32, #tpu.memory_space<hbm>>) target(%arg10 : memref<100x128xf32, #tpu.memory_space<vmem>>) offsets(%dma_start3A_56 : memref<100xi32, #tpu.memory_space<vmem>>) semaphore(%arg15 : memref<!tpu.dma_semaphore, #tpu.memory_space<semaphore_mem>>)
    %dma_wait3A_60 = arith.constant 0 : i32
    %dma_wait3A_61 = arith.constant 0 : i32
    %dma_wait3A_62 = tpu.memref_slice %arg7[%dma_wait3A_60, %dma_wait3A_61] : memref<1x100xi32, #tpu.memory_space<vmem>> -> memref<1x100xi32, #tpu.memory_space<vmem>>
    %dma_wait3A_63 = tpu.memref_squeeze %dma_wait3A_62 : memref<1x100xi32, #tpu.memory_space<vmem>> -> memref<100xi32, #tpu.memory_space<vmem>>
    %dma_wait3A_64 = arith.constant 0 : i32
    %dma_wait3A_65 = arith.constant 0 : i32
    %dma_wait3A_66 = tpu.memref_slice %arg4[%dma_wait3A_64, %dma_wait3A_65] : memref<10000x128xf32, #tpu.memory_space<hbm>> -> memref<10000x128xf32, #tpu.memory_space<hbm>>
    tpu.wait_indirect_dma semaphore(%arg15 : memref<!tpu.dma_semaphore, #tpu.memory_space<semaphore_mem>>) src(%dma_wait3A_66 : memref<10000x128xf32, #tpu.memory_space<hbm>>) dst(%arg10 : memref<100x128xf32, #tpu.memory_space<vmem>>)
    %mul3A_67 = arith.constant 100 : i32
    %mul3A_68 = arith.muli %add3A, %mul3A_67 : i32
    %add3A_69 = arith.constant 2 : i32
    %add3A_70 = arith.addi %mul3A_68, %add3A_69 : i32
    %dma_start3A_71 = arith.constant 0 : i32
    %dma_start3A_72 = arith.constant 0 : i32
    %dma_start3A_73 = tpu.memref_slice %arg2[%add3A_70, %dma_start3A_71, %dma_start3A_72] : memref<3200x1x100xi32, #tpu.memory_space<hbm>> -> memref<1x1x100xi32, #tpu.memory_space<hbm>>
    %dma_start3A_74 = tpu.memref_squeeze %dma_start3A_73 : memref<1x1x100xi32, #tpu.memory_space<hbm>> -> memref<1x100xi32, #tpu.memory_space<hbm>>
    %dma_start3A_75 = arith.constant 0 : i32
    %dma_start3A_76 = arith.constant 0 : i32
    %dma_start3A_77 = tpu.memref_slice %arg2[%add3A_70, %dma_start3A_75, %dma_start3A_76] : memref<3200x1x100xi32, #tpu.memory_space<hbm>> -> memref<1x1x100xi32, #tpu.memory_space<hbm>>
    %dma_start3A_78 = tpu.memref_squeeze %dma_start3A_77 : memref<1x1x100xi32, #tpu.memory_space<hbm>> -> memref<1x100xi32, #tpu.memory_space<hbm>>
    tpu.enqueue_dma source(%dma_start3A_78 : memref<1x100xi32, #tpu.memory_space<hbm>>) target(%arg7 : memref<1x100xi32, #tpu.memory_space<vmem>>) target_semaphore(%arg13 : memref<!tpu.dma_semaphore, #tpu.memory_space<semaphore_mem>>)
    %scan3A = arith.constant 0 : i32
    %scan3A_79 = arith.constant 0 : i32
    %scan3A_80 = arith.constant 48 : i32
    %scan3A_81 = arith.addi %scan3A_79, %scan3A_80 : i32
    %scan3A_82 = arith.constant 1 : i32
    scf.for %scan3A_236 = %scan3A_79 to %scan3A_81 step %scan3A_82  : i32 {
      %mul3A_237 = arith.constant 2 : i32
      %mul3A_238 = arith.muli %mul3A_237, %scan3A_236 : i32
      %dma_start3A_239 = arith.constant 0 : i32
      %dma_start3A_240 = tpu.memref_slice %arg9[%mul3A_238, %dma_start3A_239] : memref<100x100xi32, #tpu.memory_space<vmem>> -> memref<1x100xi32, #tpu.memory_space<vmem>>
      %dma_start3A_241 = tpu.memref_squeeze %dma_start3A_240 : memref<1x100xi32, #tpu.memory_space<vmem>> -> memref<100xi32, #tpu.memory_space<vmem>>
      %dma_start3A_242 = arith.constant 0 : i32
      %dma_start3A_243 = arith.constant 0 : i32
      %dma_start3A_244 = tpu.memref_slice %arg12[%dma_start3A_242, %dma_start3A_243] : memref<10000x128xf32, #tpu.memory_space<vmem_shared>> -> memref<10000x128xf32, #tpu.memory_space<vmem_shared>>
      tpu.enqueue_indirect_dma source(%arg10 : memref<100x128xf32, #tpu.memory_space<vmem>>) target(%dma_start3A_244 : memref<10000x128xf32, #tpu.memory_space<vmem_shared>>) offsets(%dma_start3A_241 : memref<100xi32, #tpu.memory_space<vmem>>) semaphore(%arg17 : memref<!tpu.dma_semaphore, #tpu.memory_space<semaphore_mem>>) {add = true}
      %add3A_245 = arith.constant 1 : i32
      %add3A_246 = arith.addi %mul3A_238, %add3A_245 : i32
      %mul3A_247 = arith.constant 100 : i32
      %mul3A_248 = arith.muli %add3A, %mul3A_247 : i32
      %add3A_249 = arith.addi %mul3A_248, %add3A_246 : i32
      %dma_wait3A_250 = arith.constant 0 : i32
      %dma_wait3A_251 = arith.constant 0 : i32
      %dma_wait3A_252 = tpu.memref_slice %arg2[%add3A_249, %dma_wait3A_250, %dma_wait3A_251] : memref<3200x1x100xi32, #tpu.memory_space<hbm>> -> memref<1x1x100xi32, #tpu.memory_space<hbm>>
      %dma_wait3A_253 = tpu.memref_squeeze %dma_wait3A_252 : memref<1x1x100xi32, #tpu.memory_space<hbm>> -> memref<1x100xi32, #tpu.memory_space<hbm>>
      %dma_wait3A_254 = arith.constant 0 : i32
      %dma_wait3A_255 = arith.constant 0 : i32
      %dma_wait3A_256 = tpu.memref_slice %arg2[%add3A_249, %dma_wait3A_254, %dma_wait3A_255] : memref<3200x1x100xi32, #tpu.memory_space<hbm>> -> memref<1x1x100xi32, #tpu.memory_space<hbm>>
      %dma_wait3A_257 = tpu.memref_squeeze %dma_wait3A_256 : memref<1x1x100xi32, #tpu.memory_space<hbm>> -> memref<1x100xi32, #tpu.memory_space<hbm>>
      tpu.wait_dma2 semaphore(%arg14 : memref<!tpu.dma_semaphore, #tpu.memory_space<semaphore_mem>>) src(%dma_wait3A_257 : memref<1x100xi32, #tpu.memory_space<hbm>>) dst(%arg8 : memref<1x100xi32, #tpu.memory_space<vmem>>)
      %dma_start3A_258 = arith.constant 0 : i32
      %dma_start3A_259 = arith.constant 0 : i32
      %dma_start3A_260 = tpu.memref_slice %arg8[%dma_start3A_258, %dma_start3A_259] : memref<1x100xi32, #tpu.memory_space<vmem>> -> memref<1x100xi32, #tpu.memory_space<vmem>>
      %dma_start3A_261 = tpu.memref_squeeze %dma_start3A_260 : memref<1x100xi32, #tpu.memory_space<vmem>> -> memref<100xi32, #tpu.memory_space<vmem>>
      %dma_start3A_262 = arith.constant 0 : i32
      %dma_start3A_263 = arith.constant 0 : i32
      %dma_start3A_264 = tpu.memref_slice %arg4[%dma_start3A_262, %dma_start3A_263] : memref<10000x128xf32, #tpu.memory_space<hbm>> -> memref<10000x128xf32, #tpu.memory_space<hbm>>
      tpu.enqueue_indirect_dma source(%dma_start3A_264 : memref<10000x128xf32, #tpu.memory_space<hbm>>) target(%arg11 : memref<100x128xf32, #tpu.memory_space<vmem>>) offsets(%dma_start3A_261 : memref<100xi32, #tpu.memory_space<vmem>>) semaphore(%arg16 : memref<!tpu.dma_semaphore, #tpu.memory_space<semaphore_mem>>)
      %dma_wait3A_265 = arith.constant 0 : i32
      %dma_wait3A_266 = tpu.memref_slice %arg9[%mul3A_238, %dma_wait3A_265] : memref<100x100xi32, #tpu.memory_space<vmem>> -> memref<1x100xi32, #tpu.memory_space<vmem>>
      %dma_wait3A_267 = tpu.memref_squeeze %dma_wait3A_266 : memref<1x100xi32, #tpu.memory_space<vmem>> -> memref<100xi32, #tpu.memory_space<vmem>>
      %dma_wait3A_268 = arith.constant 0 : i32
      %dma_wait3A_269 = arith.constant 0 : i32
      %dma_wait3A_270 = tpu.memref_slice %arg12[%dma_wait3A_268, %dma_wait3A_269] : memref<10000x128xf32, #tpu.memory_space<vmem_shared>> -> memref<10000x128xf32, #tpu.memory_space<vmem_shared>>
      tpu.wait_indirect_dma semaphore(%arg17 : memref<!tpu.dma_semaphore, #tpu.memory_space<semaphore_mem>>) src(%arg10 : memref<100x128xf32, #tpu.memory_space<vmem>>) dst(%dma_wait3A_270 : memref<10000x128xf32, #tpu.memory_space<vmem_shared>>)
      %dma_wait3A_271 = arith.constant 0 : i32
      %dma_wait3A_272 = arith.constant 0 : i32
      %dma_wait3A_273 = tpu.memref_slice %arg8[%dma_wait3A_271, %dma_wait3A_272] : memref<1x100xi32, #tpu.memory_space<vmem>> -> memref<1x100xi32, #tpu.memory_space<vmem>>
      %dma_wait3A_274 = tpu.memref_squeeze %dma_wait3A_273 : memref<1x100xi32, #tpu.memory_space<vmem>> -> memref<100xi32, #tpu.memory_space<vmem>>
      %dma_wait3A_275 = arith.constant 0 : i32
      %dma_wait3A_276 = arith.constant 0 : i32
      %dma_wait3A_277 = tpu.memref_slice %arg4[%dma_wait3A_275, %dma_wait3A_276] : memref<10000x128xf32, #tpu.memory_space<hbm>> -> memref<10000x128xf32, #tpu.memory_space<hbm>>
      tpu.wait_indirect_dma semaphore(%arg16 : memref<!tpu.dma_semaphore, #tpu.memory_space<semaphore_mem>>) src(%dma_wait3A_277 : memref<10000x128xf32, #tpu.memory_space<hbm>>) dst(%arg11 : memref<100x128xf32, #tpu.memory_space<vmem>>)
      %add3A_278 = arith.constant 3 : i32
      %add3A_279 = arith.addi %mul3A_238, %add3A_278 : i32
      %mul3A_280 = arith.constant 100 : i32
      %mul3A_281 = arith.muli %add3A, %mul3A_280 : i32
      %add3A_282 = arith.addi %mul3A_281, %add3A_279 : i32
      %dma_start3A_283 = arith.constant 0 : i32
      %dma_start3A_284 = arith.constant 0 : i32
      %dma_start3A_285 = tpu.memref_slice %arg2[%add3A_282, %dma_start3A_283, %dma_start3A_284] : memref<3200x1x100xi32, #tpu.memory_space<hbm>> -> memref<1x1x100xi32, #tpu.memory_space<hbm>>
      %dma_start3A_286 = tpu.memref_squeeze %dma_start3A_285 : memref<1x1x100xi32, #tpu.memory_space<hbm>> -> memref<1x100xi32, #tpu.memory_space<hbm>>
      %dma_start3A_287 = arith.constant 0 : i32
      %dma_start3A_288 = arith.constant 0 : i32
      %dma_start3A_289 = tpu.memref_slice %arg2[%add3A_282, %dma_start3A_287, %dma_start3A_288] : memref<3200x1x100xi32, #tpu.memory_space<hbm>> -> memref<1x1x100xi32, #tpu.memory_space<hbm>>
      %dma_start3A_290 = tpu.memref_squeeze %dma_start3A_289 : memref<1x1x100xi32, #tpu.memory_space<hbm>> -> memref<1x100xi32, #tpu.memory_space<hbm>>
      tpu.enqueue_dma source(%dma_start3A_290 : memref<1x100xi32, #tpu.memory_space<hbm>>) target(%arg8 : memref<1x100xi32, #tpu.memory_space<vmem>>) target_semaphore(%arg14 : memref<!tpu.dma_semaphore, #tpu.memory_space<semaphore_mem>>)
      %add3A_291 = arith.constant 1 : i32
      %add3A_292 = arith.addi %mul3A_238, %add3A_291 : i32
      %dma_start3A_293 = arith.constant 0 : i32
      %dma_start3A_294 = tpu.memref_slice %arg9[%add3A_292, %dma_start3A_293] : memref<100x100xi32, #tpu.memory_space<vmem>> -> memref<1x100xi32, #tpu.memory_space<vmem>>
      %dma_start3A_295 = tpu.memref_squeeze %dma_start3A_294 : memref<1x100xi32, #tpu.memory_space<vmem>> -> memref<100xi32, #tpu.memory_space<vmem>>
      %dma_start3A_296 = arith.constant 0 : i32
      %dma_start3A_297 = arith.constant 0 : i32
      %dma_start3A_298 = tpu.memref_slice %arg12[%dma_start3A_296, %dma_start3A_297] : memref<10000x128xf32, #tpu.memory_space<vmem_shared>> -> memref<10000x128xf32, #tpu.memory_space<vmem_shared>>
      tpu.enqueue_indirect_dma source(%arg11 : memref<100x128xf32, #tpu.memory_space<vmem>>) target(%dma_start3A_298 : memref<10000x128xf32, #tpu.memory_space<vmem_shared>>) offsets(%dma_start3A_295 : memref<100xi32, #tpu.memory_space<vmem>>) semaphore(%arg18 : memref<!tpu.dma_semaphore, #tpu.memory_space<semaphore_mem>>) {add = true}
      %add3A_299 = arith.constant 1 : i32
      %add3A_300 = arith.addi %add3A_292, %add3A_299 : i32
      %mul3A_301 = arith.constant 100 : i32
      %mul3A_302 = arith.muli %add3A, %mul3A_301 : i32
      %add3A_303 = arith.addi %mul3A_302, %add3A_300 : i32
      %dma_wait3A_304 = arith.constant 0 : i32
      %dma_wait3A_305 = arith.constant 0 : i32
      %dma_wait3A_306 = tpu.memref_slice %arg2[%add3A_303, %dma_wait3A_304, %dma_wait3A_305] : memref<3200x1x100xi32, #tpu.memory_space<hbm>> -> memref<1x1x100xi32, #tpu.memory_space<hbm>>
      %dma_wait3A_307 = tpu.memref_squeeze %dma_wait3A_306 : memref<1x1x100xi32, #tpu.memory_space<hbm>> -> memref<1x100xi32, #tpu.memory_space<hbm>>
      %dma_wait3A_308 = arith.constant 0 : i32
      %dma_wait3A_309 = arith.constant 0 : i32
      %dma_wait3A_310 = tpu.memref_slice %arg2[%add3A_303, %dma_wait3A_308, %dma_wait3A_309] : memref<3200x1x100xi32, #tpu.memory_space<hbm>> -> memref<1x1x100xi32, #tpu.memory_space<hbm>>
      %dma_wait3A_311 = tpu.memref_squeeze %dma_wait3A_310 : memref<1x1x100xi32, #tpu.memory_space<hbm>> -> memref<1x100xi32, #tpu.memory_space<hbm>>
      tpu.wait_dma2 semaphore(%arg13 : memref<!tpu.dma_semaphore, #tpu.memory_space<semaphore_mem>>) src(%dma_wait3A_311 : memref<1x100xi32, #tpu.memory_space<hbm>>) dst(%arg7 : memref<1x100xi32, #tpu.memory_space<vmem>>)
      %dma_start3A_312 = arith.constant 0 : i32
      %dma_start3A_313 = arith.constant 0 : i32
      %dma_start3A_314 = tpu.memref_slice %arg7[%dma_start3A_312, %dma_start3A_313] : memref<1x100xi32, #tpu.memory_space<vmem>> -> memref<1x100xi32, #tpu.memory_space<vmem>>
      %dma_start3A_315 = tpu.memref_squeeze %dma_start3A_314 : memref<1x100xi32, #tpu.memory_space<vmem>> -> memref<100xi32, #tpu.memory_space<vmem>>
      %dma_start3A_316 = arith.constant 0 : i32
      %dma_start3A_317 = arith.constant 0 : i32
      %dma_start3A_318 = tpu.memref_slice %arg4[%dma_start3A_316, %dma_start3A_317] : memref<10000x128xf32, #tpu.memory_space<hbm>> -> memref<10000x128xf32, #tpu.memory_space<hbm>>
      tpu.enqueue_indirect_dma source(%dma_start3A_318 : memref<10000x128xf32, #tpu.memory_space<hbm>>) target(%arg10 : memref<100x128xf32, #tpu.memory_space<vmem>>) offsets(%dma_start3A_315 : memref<100xi32, #tpu.memory_space<vmem>>) semaphore(%arg15 : memref<!tpu.dma_semaphore, #tpu.memory_space<semaphore_mem>>)
      %dma_wait3A_319 = arith.constant 0 : i32
      %dma_wait3A_320 = tpu.memref_slice %arg9[%add3A_292, %dma_wait3A_319] : memref<100x100xi32, #tpu.memory_space<vmem>> -> memref<1x100xi32, #tpu.memory_space<vmem>>
      %dma_wait3A_321 = tpu.memref_squeeze %dma_wait3A_320 : memref<1x100xi32, #tpu.memory_space<vmem>> -> memref<100xi32, #tpu.memory_space<vmem>>
      %dma_wait3A_322 = arith.constant 0 : i32
      %dma_wait3A_323 = arith.constant 0 : i32
      %dma_wait3A_324 = tpu.memref_slice %arg12[%dma_wait3A_322, %dma_wait3A_323] : memref<10000x128xf32, #tpu.memory_space<vmem_shared>> -> memref<10000x128xf32, #tpu.memory_space<vmem_shared>>
      tpu.wait_indirect_dma semaphore(%arg18 : memref<!tpu.dma_semaphore, #tpu.memory_space<semaphore_mem>>) src(%arg11 : memref<100x128xf32, #tpu.memory_space<vmem>>) dst(%dma_wait3A_324 : memref<10000x128xf32, #tpu.memory_space<vmem_shared>>)
      %dma_wait3A_325 = arith.constant 0 : i32
      %dma_wait3A_326 = arith.constant 0 : i32
      %dma_wait3A_327 = tpu.memref_slice %arg7[%dma_wait3A_325, %dma_wait3A_326] : memref<1x100xi32, #tpu.memory_space<vmem>> -> memref<1x100xi32, #tpu.memory_space<vmem>>
      %dma_wait3A_328 = tpu.memref_squeeze %dma_wait3A_327 : memref<1x100xi32, #tpu.memory_space<vmem>> -> memref<100xi32, #tpu.memory_space<vmem>>
      %dma_wait3A_329 = arith.constant 0 : i32
      %dma_wait3A_330 = arith.constant 0 : i32
      %dma_wait3A_331 = tpu.memref_slice %arg4[%dma_wait3A_329, %dma_wait3A_330] : memref<10000x128xf32, #tpu.memory_space<hbm>> -> memref<10000x128xf32, #tpu.memory_space<hbm>>
      tpu.wait_indirect_dma semaphore(%arg15 : memref<!tpu.dma_semaphore, #tpu.memory_space<semaphore_mem>>) src(%dma_wait3A_331 : memref<10000x128xf32, #tpu.memory_space<hbm>>) dst(%arg10 : memref<100x128xf32, #tpu.memory_space<vmem>>)
      %add3A_332 = arith.constant 3 : i32
      %add3A_333 = arith.addi %add3A_292, %add3A_332 : i32
      %mul3A_334 = arith.constant 100 : i32
      %mul3A_335 = arith.muli %add3A, %mul3A_334 : i32
      %add3A_336 = arith.addi %mul3A_335, %add3A_333 : i32
      %dma_start3A_337 = arith.constant 0 : i32
      %dma_start3A_338 = arith.constant 0 : i32
      %dma_start3A_339 = tpu.memref_slice %arg2[%add3A_336, %dma_start3A_337, %dma_start3A_338] : memref<3200x1x100xi32, #tpu.memory_space<hbm>> -> memref<1x1x100xi32, #tpu.memory_space<hbm>>
      %dma_start3A_340 = tpu.memref_squeeze %dma_start3A_339 : memref<1x1x100xi32, #tpu.memory_space<hbm>> -> memref<1x100xi32, #tpu.memory_space<hbm>>
      %dma_start3A_341 = arith.constant 0 : i32
      %dma_start3A_342 = arith.constant 0 : i32
      %dma_start3A_343 = tpu.memref_slice %arg2[%add3A_336, %dma_start3A_341, %dma_start3A_342] : memref<3200x1x100xi32, #tpu.memory_space<hbm>> -> memref<1x1x100xi32, #tpu.memory_space<hbm>>
      %dma_start3A_344 = tpu.memref_squeeze %dma_start3A_343 : memref<1x1x100xi32, #tpu.memory_space<hbm>> -> memref<1x100xi32, #tpu.memory_space<hbm>>
      tpu.enqueue_dma source(%dma_start3A_344 : memref<1x100xi32, #tpu.memory_space<hbm>>) target(%arg7 : memref<1x100xi32, #tpu.memory_space<vmem>>) target_semaphore(%arg13 : memref<!tpu.dma_semaphore, #tpu.memory_space<semaphore_mem>>)
    }
    %scan3A_83 = arith.constant 48 : i32
    %dma_start3A_84 = arith.constant 96 : i32
    %dma_start3A_85 = arith.constant 0 : i32
    %dma_start3A_86 = tpu.memref_slice %arg9[%dma_start3A_84, %dma_start3A_85] : memref<100x100xi32, #tpu.memory_space<vmem>> -> memref<1x100xi32, #tpu.memory_space<vmem>>
    %dma_start3A_87 = tpu.memref_squeeze %dma_start3A_86 : memref<1x100xi32, #tpu.memory_space<vmem>> -> memref<100xi32, #tpu.memory_space<vmem>>
    %dma_start3A_88 = arith.constant 0 : i32
    %dma_start3A_89 = arith.constant 0 : i32
    %dma_start3A_90 = tpu.memref_slice %arg12[%dma_start3A_88, %dma_start3A_89] : memref<10000x128xf32, #tpu.memory_space<vmem_shared>> -> memref<10000x128xf32, #tpu.memory_space<vmem_shared>>
    tpu.enqueue_indirect_dma source(%arg10 : memref<100x128xf32, #tpu.memory_space<vmem>>) target(%dma_start3A_90 : memref<10000x128xf32, #tpu.memory_space<vmem_shared>>) offsets(%dma_start3A_87 : memref<100xi32, #tpu.memory_space<vmem>>) semaphore(%arg17 : memref<!tpu.dma_semaphore, #tpu.memory_space<semaphore_mem>>) {add = true}
    %mul3A_91 = arith.constant 100 : i32
    %mul3A_92 = arith.muli %add3A, %mul3A_91 : i32
    %add3A_93 = arith.constant 97 : i32
    %add3A_94 = arith.addi %mul3A_92, %add3A_93 : i32
    %dma_wait3A_95 = arith.constant 0 : i32
    %dma_wait3A_96 = arith.constant 0 : i32
    %dma_wait3A_97 = tpu.memref_slice %arg2[%add3A_94, %dma_wait3A_95, %dma_wait3A_96] : memref<3200x1x100xi32, #tpu.memory_space<hbm>> -> memref<1x1x100xi32, #tpu.memory_space<hbm>>
    %dma_wait3A_98 = tpu.memref_squeeze %dma_wait3A_97 : memref<1x1x100xi32, #tpu.memory_space<hbm>> -> memref<1x100xi32, #tpu.memory_space<hbm>>
    %dma_wait3A_99 = arith.constant 0 : i32
    %dma_wait3A_100 = arith.constant 0 : i32
    %dma_wait3A_101 = tpu.memref_slice %arg2[%add3A_94, %dma_wait3A_99, %dma_wait3A_100] : memref<3200x1x100xi32, #tpu.memory_space<hbm>> -> memref<1x1x100xi32, #tpu.memory_space<hbm>>
    %dma_wait3A_102 = tpu.memref_squeeze %dma_wait3A_101 : memref<1x1x100xi32, #tpu.memory_space<hbm>> -> memref<1x100xi32, #tpu.memory_space<hbm>>
    tpu.wait_dma2 semaphore(%arg14 : memref<!tpu.dma_semaphore, #tpu.memory_space<semaphore_mem>>) src(%dma_wait3A_102 : memref<1x100xi32, #tpu.memory_space<hbm>>) dst(%arg8 : memref<1x100xi32, #tpu.memory_space<vmem>>)
    %dma_start3A_103 = arith.constant 0 : i32
    %dma_start3A_104 = arith.constant 0 : i32
    %dma_start3A_105 = tpu.memref_slice %arg8[%dma_start3A_103, %dma_start3A_104] : memref<1x100xi32, #tpu.memory_space<vmem>> -> memref<1x100xi32, #tpu.memory_space<vmem>>
    %dma_start3A_106 = tpu.memref_squeeze %dma_start3A_105 : memref<1x100xi32, #tpu.memory_space<vmem>> -> memref<100xi32, #tpu.memory_space<vmem>>
    %dma_start3A_107 = arith.constant 0 : i32
    %dma_start3A_108 = arith.constant 0 : i32
    %dma_start3A_109 = tpu.memref_slice %arg4[%dma_start3A_107, %dma_start3A_108] : memref<10000x128xf32, #tpu.memory_space<hbm>> -> memref<10000x128xf32, #tpu.memory_space<hbm>>
    tpu.enqueue_indirect_dma source(%dma_start3A_109 : memref<10000x128xf32, #tpu.memory_space<hbm>>) target(%arg11 : memref<100x128xf32, #tpu.memory_space<vmem>>) offsets(%dma_start3A_106 : memref<100xi32, #tpu.memory_space<vmem>>) semaphore(%arg16 : memref<!tpu.dma_semaphore, #tpu.memory_space<semaphore_mem>>)
    %dma_wait3A_110 = arith.constant 96 : i32
    %dma_wait3A_111 = arith.constant 0 : i32
    %dma_wait3A_112 = tpu.memref_slice %arg9[%dma_wait3A_110, %dma_wait3A_111] : memref<100x100xi32, #tpu.memory_space<vmem>> -> memref<1x100xi32, #tpu.memory_space<vmem>>
    %dma_wait3A_113 = tpu.memref_squeeze %dma_wait3A_112 : memref<1x100xi32, #tpu.memory_space<vmem>> -> memref<100xi32, #tpu.memory_space<vmem>>
    %dma_wait3A_114 = arith.constant 0 : i32
    %dma_wait3A_115 = arith.constant 0 : i32
    %dma_wait3A_116 = tpu.memref_slice %arg12[%dma_wait3A_114, %dma_wait3A_115] : memref<10000x128xf32, #tpu.memory_space<vmem_shared>> -> memref<10000x128xf32, #tpu.memory_space<vmem_shared>>
    tpu.wait_indirect_dma semaphore(%arg17 : memref<!tpu.dma_semaphore, #tpu.memory_space<semaphore_mem>>) src(%arg10 : memref<100x128xf32, #tpu.memory_space<vmem>>) dst(%dma_wait3A_116 : memref<10000x128xf32, #tpu.memory_space<vmem_shared>>)
    %dma_wait3A_117 = arith.constant 0 : i32
    %dma_wait3A_118 = arith.constant 0 : i32
    %dma_wait3A_119 = tpu.memref_slice %arg8[%dma_wait3A_117, %dma_wait3A_118] : memref<1x100xi32, #tpu.memory_space<vmem>> -> memref<1x100xi32, #tpu.memory_space<vmem>>
    %dma_wait3A_120 = tpu.memref_squeeze %dma_wait3A_119 : memref<1x100xi32, #tpu.memory_space<vmem>> -> memref<100xi32, #tpu.memory_space<vmem>>
    %dma_wait3A_121 = arith.constant 0 : i32
    %dma_wait3A_122 = arith.constant 0 : i32
    %dma_wait3A_123 = tpu.memref_slice %arg4[%dma_wait3A_121, %dma_wait3A_122] : memref<10000x128xf32, #tpu.memory_space<hbm>> -> memref<10000x128xf32, #tpu.memory_space<hbm>>
    tpu.wait_indirect_dma semaphore(%arg16 : memref<!tpu.dma_semaphore, #tpu.memory_space<semaphore_mem>>) src(%dma_wait3A_123 : memref<10000x128xf32, #tpu.memory_space<hbm>>) dst(%arg11 : memref<100x128xf32, #tpu.memory_space<vmem>>)
    %mul3A_124 = arith.constant 100 : i32
    %mul3A_125 = arith.muli %add3A, %mul3A_124 : i32
    %add3A_126 = arith.constant 99 : i32
    %add3A_127 = arith.addi %mul3A_125, %add3A_126 : i32
    %dma_start3A_128 = arith.constant 0 : i32
    %dma_start3A_129 = arith.constant 0 : i32
    %dma_start3A_130 = tpu.memref_slice %arg2[%add3A_127, %dma_start3A_128, %dma_start3A_129] : memref<3200x1x100xi32, #tpu.memory_space<hbm>> -> memref<1x1x100xi32, #tpu.memory_space<hbm>>
    %dma_start3A_131 = tpu.memref_squeeze %dma_start3A_130 : memref<1x1x100xi32, #tpu.memory_space<hbm>> -> memref<1x100xi32, #tpu.memory_space<hbm>>
    %dma_start3A_132 = arith.constant 0 : i32
    %dma_start3A_133 = arith.constant 0 : i32
    %dma_start3A_134 = tpu.memref_slice %arg2[%add3A_127, %dma_start3A_132, %dma_start3A_133] : memref<3200x1x100xi32, #tpu.memory_space<hbm>> -> memref<1x1x100xi32, #tpu.memory_space<hbm>>
    %dma_start3A_135 = tpu.memref_squeeze %dma_start3A_134 : memref<1x1x100xi32, #tpu.memory_space<hbm>> -> memref<1x100xi32, #tpu.memory_space<hbm>>
    tpu.enqueue_dma source(%dma_start3A_135 : memref<1x100xi32, #tpu.memory_space<hbm>>) target(%arg8 : memref<1x100xi32, #tpu.memory_space<vmem>>) target_semaphore(%arg14 : memref<!tpu.dma_semaphore, #tpu.memory_space<semaphore_mem>>)
    %dma_start3A_136 = arith.constant 97 : i32
    %dma_start3A_137 = arith.constant 0 : i32
    %dma_start3A_138 = tpu.memref_slice %arg9[%dma_start3A_136, %dma_start3A_137] : memref<100x100xi32, #tpu.memory_space<vmem>> -> memref<1x100xi32, #tpu.memory_space<vmem>>
    %dma_start3A_139 = tpu.memref_squeeze %dma_start3A_138 : memref<1x100xi32, #tpu.memory_space<vmem>> -> memref<100xi32, #tpu.memory_space<vmem>>
    %dma_start3A_140 = arith.constant 0 : i32
    %dma_start3A_141 = arith.constant 0 : i32
    %dma_start3A_142 = tpu.memref_slice %arg12[%dma_start3A_140, %dma_start3A_141] : memref<10000x128xf32, #tpu.memory_space<vmem_shared>> -> memref<10000x128xf32, #tpu.memory_space<vmem_shared>>
    tpu.enqueue_indirect_dma source(%arg11 : memref<100x128xf32, #tpu.memory_space<vmem>>) target(%dma_start3A_142 : memref<10000x128xf32, #tpu.memory_space<vmem_shared>>) offsets(%dma_start3A_139 : memref<100xi32, #tpu.memory_space<vmem>>) semaphore(%arg18 : memref<!tpu.dma_semaphore, #tpu.memory_space<semaphore_mem>>) {add = true}
    %mul3A_143 = arith.constant 100 : i32
    %mul3A_144 = arith.muli %add3A, %mul3A_143 : i32
    %add3A_145 = arith.constant 98 : i32
    %add3A_146 = arith.addi %mul3A_144, %add3A_145 : i32
    %dma_wait3A_147 = arith.constant 0 : i32
    %dma_wait3A_148 = arith.constant 0 : i32
    %dma_wait3A_149 = tpu.memref_slice %arg2[%add3A_146, %dma_wait3A_147, %dma_wait3A_148] : memref<3200x1x100xi32, #tpu.memory_space<hbm>> -> memref<1x1x100xi32, #tpu.memory_space<hbm>>
    %dma_wait3A_150 = tpu.memref_squeeze %dma_wait3A_149 : memref<1x1x100xi32, #tpu.memory_space<hbm>> -> memref<1x100xi32, #tpu.memory_space<hbm>>
    %dma_wait3A_151 = arith.constant 0 : i32
    %dma_wait3A_152 = arith.constant 0 : i32
    %dma_wait3A_153 = tpu.memref_slice %arg2[%add3A_146, %dma_wait3A_151, %dma_wait3A_152] : memref<3200x1x100xi32, #tpu.memory_space<hbm>> -> memref<1x1x100xi32, #tpu.memory_space<hbm>>
    %dma_wait3A_154 = tpu.memref_squeeze %dma_wait3A_153 : memref<1x1x100xi32, #tpu.memory_space<hbm>> -> memref<1x100xi32, #tpu.memory_space<hbm>>
    tpu.wait_dma2 semaphore(%arg13 : memref<!tpu.dma_semaphore, #tpu.memory_space<semaphore_mem>>) src(%dma_wait3A_154 : memref<1x100xi32, #tpu.memory_space<hbm>>) dst(%arg7 : memref<1x100xi32, #tpu.memory_space<vmem>>)
    %dma_start3A_155 = arith.constant 0 : i32
    %dma_start3A_156 = arith.constant 0 : i32
    %dma_start3A_157 = tpu.memref_slice %arg7[%dma_start3A_155, %dma_start3A_156] : memref<1x100xi32, #tpu.memory_space<vmem>> -> memref<1x100xi32, #tpu.memory_space<vmem>>
    %dma_start3A_158 = tpu.memref_squeeze %dma_start3A_157 : memref<1x100xi32, #tpu.memory_space<vmem>> -> memref<100xi32, #tpu.memory_space<vmem>>
    %dma_start3A_159 = arith.constant 0 : i32
    %dma_start3A_160 = arith.constant 0 : i32
    %dma_start3A_161 = tpu.memref_slice %arg4[%dma_start3A_159, %dma_start3A_160] : memref<10000x128xf32, #tpu.memory_space<hbm>> -> memref<10000x128xf32, #tpu.memory_space<hbm>>
    tpu.enqueue_indirect_dma source(%dma_start3A_161 : memref<10000x128xf32, #tpu.memory_space<hbm>>) target(%arg10 : memref<100x128xf32, #tpu.memory_space<vmem>>) offsets(%dma_start3A_158 : memref<100xi32, #tpu.memory_space<vmem>>) semaphore(%arg15 : memref<!tpu.dma_semaphore, #tpu.memory_space<semaphore_mem>>)
    %dma_wait3A_162 = arith.constant 97 : i32
    %dma_wait3A_163 = arith.constant 0 : i32
    %dma_wait3A_164 = tpu.memref_slice %arg9[%dma_wait3A_162, %dma_wait3A_163] : memref<100x100xi32, #tpu.memory_space<vmem>> -> memref<1x100xi32, #tpu.memory_space<vmem>>
    %dma_wait3A_165 = tpu.memref_squeeze %dma_wait3A_164 : memref<1x100xi32, #tpu.memory_space<vmem>> -> memref<100xi32, #tpu.memory_space<vmem>>
    %dma_wait3A_166 = arith.constant 0 : i32
    %dma_wait3A_167 = arith.constant 0 : i32
    %dma_wait3A_168 = tpu.memref_slice %arg12[%dma_wait3A_166, %dma_wait3A_167] : memref<10000x128xf32, #tpu.memory_space<vmem_shared>> -> memref<10000x128xf32, #tpu.memory_space<vmem_shared>>
    tpu.wait_indirect_dma semaphore(%arg18 : memref<!tpu.dma_semaphore, #tpu.memory_space<semaphore_mem>>) src(%arg11 : memref<100x128xf32, #tpu.memory_space<vmem>>) dst(%dma_wait3A_168 : memref<10000x128xf32, #tpu.memory_space<vmem_shared>>)
    %dma_wait3A_169 = arith.constant 0 : i32
    %dma_wait3A_170 = arith.constant 0 : i32
    %dma_wait3A_171 = tpu.memref_slice %arg7[%dma_wait3A_169, %dma_wait3A_170] : memref<1x100xi32, #tpu.memory_space<vmem>> -> memref<1x100xi32, #tpu.memory_space<vmem>>
    %dma_wait3A_172 = tpu.memref_squeeze %dma_wait3A_171 : memref<1x100xi32, #tpu.memory_space<vmem>> -> memref<100xi32, #tpu.memory_space<vmem>>
    %dma_wait3A_173 = arith.constant 0 : i32
    %dma_wait3A_174 = arith.constant 0 : i32
    %dma_wait3A_175 = tpu.memref_slice %arg4[%dma_wait3A_173, %dma_wait3A_174] : memref<10000x128xf32, #tpu.memory_space<hbm>> -> memref<10000x128xf32, #tpu.memory_space<hbm>>
    tpu.wait_indirect_dma semaphore(%arg15 : memref<!tpu.dma_semaphore, #tpu.memory_space<semaphore_mem>>) src(%dma_wait3A_175 : memref<10000x128xf32, #tpu.memory_space<hbm>>) dst(%arg10 : memref<100x128xf32, #tpu.memory_space<vmem>>)
    %dma_start3A_176 = arith.constant 98 : i32
    %dma_start3A_177 = arith.constant 0 : i32
    %dma_start3A_178 = tpu.memref_slice %arg9[%dma_start3A_176, %dma_start3A_177] : memref<100x100xi32, #tpu.memory_space<vmem>> -> memref<1x100xi32, #tpu.memory_space<vmem>>
    %dma_start3A_179 = tpu.memref_squeeze %dma_start3A_178 : memref<1x100xi32, #tpu.memory_space<vmem>> -> memref<100xi32, #tpu.memory_space<vmem>>
    %dma_start3A_180 = arith.constant 0 : i32
    %dma_start3A_181 = arith.constant 0 : i32
    %dma_start3A_182 = tpu.memref_slice %arg12[%dma_start3A_180, %dma_start3A_181] : memref<10000x128xf32, #tpu.memory_space<vmem_shared>> -> memref<10000x128xf32, #tpu.memory_space<vmem_shared>>
    tpu.enqueue_indirect_dma source(%arg10 : memref<100x128xf32, #tpu.memory_space<vmem>>) target(%dma_start3A_182 : memref<10000x128xf32, #tpu.memory_space<vmem_shared>>) offsets(%dma_start3A_179 : memref<100xi32, #tpu.memory_space<vmem>>) semaphore(%arg17 : memref<!tpu.dma_semaphore, #tpu.memory_space<semaphore_mem>>) {add = true}
    %mul3A_183 = arith.constant 100 : i32
    %mul3A_184 = arith.muli %add3A, %mul3A_183 : i32
    %add3A_185 = arith.constant 99 : i32
    %add3A_186 = arith.addi %mul3A_184, %add3A_185 : i32
    %dma_wait3A_187 = arith.constant 0 : i32
    %dma_wait3A_188 = arith.constant 0 : i32
    %dma_wait3A_189 = tpu.memref_slice %arg2[%add3A_186, %dma_wait3A_187, %dma_wait3A_188] : memref<3200x1x100xi32, #tpu.memory_space<hbm>> -> memref<1x1x100xi32, #tpu.memory_space<hbm>>
    %dma_wait3A_190 = tpu.memref_squeeze %dma_wait3A_189 : memref<1x1x100xi32, #tpu.memory_space<hbm>> -> memref<1x100xi32, #tpu.memory_space<hbm>>
    %dma_wait3A_191 = arith.constant 0 : i32
    %dma_wait3A_192 = arith.constant 0 : i32
    %dma_wait3A_193 = tpu.memref_slice %arg2[%add3A_186, %dma_wait3A_191, %dma_wait3A_192] : memref<3200x1x100xi32, #tpu.memory_space<hbm>> -> memref<1x1x100xi32, #tpu.memory_space<hbm>>
    %dma_wait3A_194 = tpu.memref_squeeze %dma_wait3A_193 : memref<1x1x100xi32, #tpu.memory_space<hbm>> -> memref<1x100xi32, #tpu.memory_space<hbm>>
    tpu.wait_dma2 semaphore(%arg14 : memref<!tpu.dma_semaphore, #tpu.memory_space<semaphore_mem>>) src(%dma_wait3A_194 : memref<1x100xi32, #tpu.memory_space<hbm>>) dst(%arg8 : memref<1x100xi32, #tpu.memory_space<vmem>>)
    %dma_start3A_195 = arith.constant 0 : i32
    %dma_start3A_196 = arith.constant 0 : i32
    %dma_start3A_197 = tpu.memref_slice %arg8[%dma_start3A_195, %dma_start3A_196] : memref<1x100xi32, #tpu.memory_space<vmem>> -> memref<1x100xi32, #tpu.memory_space<vmem>>
    %dma_start3A_198 = tpu.memref_squeeze %dma_start3A_197 : memref<1x100xi32, #tpu.memory_space<vmem>> -> memref<100xi32, #tpu.memory_space<vmem>>
    %dma_start3A_199 = arith.constant 0 : i32
    %dma_start3A_200 = arith.constant 0 : i32
    %dma_start3A_201 = tpu.memref_slice %arg4[%dma_start3A_199, %dma_start3A_200] : memref<10000x128xf32, #tpu.memory_space<hbm>> -> memref<10000x128xf32, #tpu.memory_space<hbm>>
    tpu.enqueue_indirect_dma source(%dma_start3A_201 : memref<10000x128xf32, #tpu.memory_space<hbm>>) target(%arg11 : memref<100x128xf32, #tpu.memory_space<vmem>>) offsets(%dma_start3A_198 : memref<100xi32, #tpu.memory_space<vmem>>) semaphore(%arg16 : memref<!tpu.dma_semaphore, #tpu.memory_space<semaphore_mem>>)
    %dma_wait3A_202 = arith.constant 98 : i32
    %dma_wait3A_203 = arith.constant 0 : i32
    %dma_wait3A_204 = tpu.memref_slice %arg9[%dma_wait3A_202, %dma_wait3A_203] : memref<100x100xi32, #tpu.memory_space<vmem>> -> memref<1x100xi32, #tpu.memory_space<vmem>>
    %dma_wait3A_205 = tpu.memref_squeeze %dma_wait3A_204 : memref<1x100xi32, #tpu.memory_space<vmem>> -> memref<100xi32, #tpu.memory_space<vmem>>
    %dma_wait3A_206 = arith.constant 0 : i32
    %dma_wait3A_207 = arith.constant 0 : i32
    %dma_wait3A_208 = tpu.memref_slice %arg12[%dma_wait3A_206, %dma_wait3A_207] : memref<10000x128xf32, #tpu.memory_space<vmem_shared>> -> memref<10000x128xf32, #tpu.memory_space<vmem_shared>>
    tpu.wait_indirect_dma semaphore(%arg17 : memref<!tpu.dma_semaphore, #tpu.memory_space<semaphore_mem>>) src(%arg10 : memref<100x128xf32, #tpu.memory_space<vmem>>) dst(%dma_wait3A_208 : memref<10000x128xf32, #tpu.memory_space<vmem_shared>>)
    %dma_wait3A_209 = arith.constant 0 : i32
    %dma_wait3A_210 = arith.constant 0 : i32
    %dma_wait3A_211 = tpu.memref_slice %arg8[%dma_wait3A_209, %dma_wait3A_210] : memref<1x100xi32, #tpu.memory_space<vmem>> -> memref<1x100xi32, #tpu.memory_space<vmem>>
    %dma_wait3A_212 = tpu.memref_squeeze %dma_wait3A_211 : memref<1x100xi32, #tpu.memory_space<vmem>> -> memref<100xi32, #tpu.memory_space<vmem>>
    %dma_wait3A_213 = arith.constant 0 : i32
    %dma_wait3A_214 = arith.constant 0 : i32
    %dma_wait3A_215 = tpu.memref_slice %arg4[%dma_wait3A_213, %dma_wait3A_214] : memref<10000x128xf32, #tpu.memory_space<hbm>> -> memref<10000x128xf32, #tpu.memory_space<hbm>>
    tpu.wait_indirect_dma semaphore(%arg16 : memref<!tpu.dma_semaphore, #tpu.memory_space<semaphore_mem>>) src(%dma_wait3A_215 : memref<10000x128xf32, #tpu.memory_space<hbm>>) dst(%arg11 : memref<100x128xf32, #tpu.memory_space<vmem>>)
    %dma_start3A_216 = arith.constant 99 : i32
    %dma_start3A_217 = arith.constant 0 : i32
    %dma_start3A_218 = tpu.memref_slice %arg9[%dma_start3A_216, %dma_start3A_217] : memref<100x100xi32, #tpu.memory_space<vmem>> -> memref<1x100xi32, #tpu.memory_space<vmem>>
    %dma_start3A_219 = tpu.memref_squeeze %dma_start3A_218 : memref<1x100xi32, #tpu.memory_space<vmem>> -> memref<100xi32, #tpu.memory_space<vmem>>
    %dma_start3A_220 = arith.constant 0 : i32
    %dma_start3A_221 = arith.constant 0 : i32
    %dma_start3A_222 = tpu.memref_slice %arg12[%dma_start3A_220, %dma_start3A_221] : memref<10000x128xf32, #tpu.memory_space<vmem_shared>> -> memref<10000x128xf32, #tpu.memory_space<vmem_shared>>
    tpu.enqueue_indirect_dma source(%arg11 : memref<100x128xf32, #tpu.memory_space<vmem>>) target(%dma_start3A_222 : memref<10000x128xf32, #tpu.memory_space<vmem_shared>>) offsets(%dma_start3A_219 : memref<100xi32, #tpu.memory_space<vmem>>) semaphore(%arg18 : memref<!tpu.dma_semaphore, #tpu.memory_space<semaphore_mem>>) {add = true}
    %dma_wait3A_223 = arith.constant 99 : i32
    %dma_wait3A_224 = arith.constant 0 : i32
    %dma_wait3A_225 = tpu.memref_slice %arg9[%dma_wait3A_223, %dma_wait3A_224] : memref<100x100xi32, #tpu.memory_space<vmem>> -> memref<1x100xi32, #tpu.memory_space<vmem>>
    %dma_wait3A_226 = tpu.memref_squeeze %dma_wait3A_225 : memref<1x100xi32, #tpu.memory_space<vmem>> -> memref<100xi32, #tpu.memory_space<vmem>>
    %dma_wait3A_227 = arith.constant 0 : i32
    %dma_wait3A_228 = arith.constant 0 : i32
    %dma_wait3A_229 = tpu.memref_slice %arg12[%dma_wait3A_227, %dma_wait3A_228] : memref<10000x128xf32, #tpu.memory_space<vmem_shared>> -> memref<10000x128xf32, #tpu.memory_space<vmem_shared>>
    tpu.wait_indirect_dma semaphore(%arg18 : memref<!tpu.dma_semaphore, #tpu.memory_space<semaphore_mem>>) src(%arg11 : memref<100x128xf32, #tpu.memory_space<vmem>>) dst(%dma_wait3A_229 : memref<10000x128xf32, #tpu.memory_space<vmem_shared>>)
    %barrier3A_230 = arith.constant 0 : index
    tpu.barrier barrier_id(%barrier3A_230)
    %lt3A_231 = arith.constant 10 : i32
    %lt3A_232 = arith.cmpi slt, %arg1, %lt3A_231 : i32
    %convert_element_type3A_233 = arith.extui %lt3A_232 : i1 to i32
    %cond3A_234 = arith.constant 0 : i32
    %cond3A_235 = arith.cmpi ne, %convert_element_type3A_233, %cond3A_234 : i32
    scf.if %cond3A_235 {
      %mul3A_236 = arith.constant 1000 : i32
      %mul3A_237 = arith.muli %arg1, %mul3A_236 : i32
      %mul3A_238 = arith.constant 1000 : i32
      %mul3A_239 = arith.muli %arg1, %mul3A_238 : i32
      "tpu.region"() ({
        %run_scoped3A = tpu.sem_alloc : memref<!tpu.dma_semaphore, #tpu.memory_space<semaphore_mem>>
        %dma_start3A_240 = arith.constant 0 : i32
        %dma_start3A_241 = tpu.memref_slice %arg6[%arg0, %mul3A_239, %dma_start3A_240] : memref<2x10000x128xf32, #tpu.memory_space<hbm>> -> memref<1x1000x128xf32, #tpu.memory_space<hbm>>
        %dma_start3A_242 = tpu.memref_squeeze %dma_start3A_241 : memref<1x1000x128xf32, #tpu.memory_space<hbm>> -> memref<1000x128xf32, #tpu.memory_space<hbm>>
        %dma_start3A_243 = arith.constant 0 : i32
        %dma_start3A_244 = tpu.memref_slice %arg12[%mul3A_237, %dma_start3A_243] : memref<10000x128xf32, #tpu.memory_space<vmem_shared>> -> memref<1000x128xf32, #tpu.memory_space<vmem_shared>>
        tpu.enqueue_dma source(%dma_start3A_244 : memref<1000x128xf32, #tpu.memory_space<vmem_shared>>) target(%dma_start3A_242 : memref<1000x128xf32, #tpu.memory_space<hbm>>) target_semaphore(%run_scoped3A : memref<!tpu.dma_semaphore, #tpu.memory_space<semaphore_mem>>)
        %dma_wait3A_245 = arith.constant 0 : i32
        %dma_wait3A_246 = tpu.memref_slice %arg6[%arg0, %mul3A_239, %dma_wait3A_245] : memref<2x10000x128xf32, #tpu.memory_space<hbm>> -> memref<1x1000x128xf32, #tpu.memory_space<hbm>>
        %dma_wait3A_247 = tpu.memref_squeeze %dma_wait3A_246 : memref<1x1000x128xf32, #tpu.memory_space<hbm>> -> memref<1000x128xf32, #tpu.memory_space<hbm>>
        %dma_wait3A_248 = arith.constant 0 : i32
        %dma_wait3A_249 = tpu.memref_slice %arg12[%mul3A_237, %dma_wait3A_248] : memref<10000x128xf32, #tpu.memory_space<vmem_shared>> -> memref<1000x128xf32, #tpu.memory_space<vmem_shared>>
        tpu.wait_dma2 semaphore(%run_scoped3A : memref<!tpu.dma_semaphore, #tpu.memory_space<semaphore_mem>>) src(%dma_wait3A_249 : memref<1000x128xf32, #tpu.memory_space<vmem_shared>>) dst(%dma_wait3A_247 : memref<1000x128xf32, #tpu.memory_space<hbm>>)
        tpu.yield
      }) : () -> ()
    } else {
    }
    return
  }
}

module attributes {stable_mosaic.version = 14 : i64} {
  func.func @_mm_body(%arg0: i32, %arg1: memref<1000x128xf32, #tpu.memory_space<vmem>>, %arg2: memref<128x128xf32, #tpu.memory_space<vmem>>, %arg3: memref<1000x128xf32, #tpu.memory_space<vmem>>) attributes {dimension_semantics = [#tpu.dimension_semantics<arbitrary>], iteration_bounds = array<i64: 10>, scalar_prefetch = 0 : i64, scratch_operands = 0 : i64, tpu.core_type = #tpu.core_type<tc>, window_params = [{transform_indices = @transform_0, window_bounds = array<i64: 1000, 128>}, {pipeline_mode = #tpu.pipeline_mode<synchronous>, transform_indices = @transform_1, window_bounds = array<i64: 128, 128>}, {transform_indices = @transform_2, window_bounds = array<i64: 1000, 128>}]} {
    %get3A = arith.constant 0 : index
    %get3A_0 = arith.constant 0 : index
    %get3A_1 = vector.load %arg1[%get3A, %get3A_0] : memref<1000x128xf32, #tpu.memory_space<vmem>>, vector<1000x128xf32>
    %get3A_2 = arith.constant 0 : index
    %get3A_3 = arith.constant 0 : index
    %get3A_4 = vector.load %arg2[%get3A_2, %get3A_3] : memref<128x128xf32, #tpu.memory_space<vmem>>, vector<128x128xf32>
    %dot_general3A = arith.constant dense<0.000000e+00> : vector<1000x128xf32>
    %dot_general3A_5 = tpu.matmul %get3A_1, %get3A_4, %dot_general3A {dimension_numbers = #tpu.dot_dimension_numbers<[1], [0], [0], [1], [0, 0, 1, 1], [], []>, transpose_lhs_hint = false} : vector<1000x128xf32>, vector<128x128xf32>, vector<1000x128xf32> -> vector<1000x128xf32>
    %swap3A = arith.constant 0 : index
    %swap3A_6 = arith.constant 0 : index
    %swap3A_7 = vector.load %arg3[%swap3A, %swap3A_6] : memref<1000x128xf32, #tpu.memory_space<vmem>>, vector<1000x128xf32>
    tpu.vector_store %arg3[%swap3A, %swap3A_6], %dot_general3A_5 {strides = array<i32>} : memref<1000x128xf32, #tpu.memory_space<vmem>>, vector<1000x128xf32>,
    return
  }
  func.func @transform_0(%arg0: i32) -> (i32, i32) {
    %c0_i32 = arith.constant 0 : i32
    %c0_i32_0 = arith.constant 0 : i32
    return %arg0, %c0_i32 : i32, i32
  }
  func.func @transform_1(%arg0: i32) -> (i32, i32) {
    %c0_i32 = arith.constant 0 : i32
    %c0_i32_0 = arith.constant 0 : i32
    %c0_i32_1 = arith.constant 0 : i32
    return %c0_i32, %c0_i32_0 : i32, i32
  }
  func.func @transform_2(%arg0: i32) -> (i32, i32) {
    %c0_i32 = arith.constant 0 : i32
    %c0_i32_0 = arith.constant 0 : i32
    return %arg0, %c0_i32 : i32, i32
  }
}

module attributes {stable_mosaic.version = 14 : i64} {
  func.func @_cb_body(%arg0: i32, %arg1: memref<2x1000x128xf32, #tpu.memory_space<vmem>>, %arg2: memref<1000x128xf32, #tpu.memory_space<vmem>>) attributes {dimension_semantics = [#tpu.dimension_semantics<arbitrary>], iteration_bounds = array<i64: 10>, scalar_prefetch = 0 : i64, scratch_operands = 0 : i64, tpu.core_type = #tpu.core_type<tc>, window_params = [{transform_indices = @transform_0, window_bounds = array<i64: 2, 1000, 128>}, {transform_indices = @transform_1, window_bounds = array<i64: 1000, 128>}]} {
    %get3A = arith.constant 0 : index
    %get3A_0 = arith.constant 0 : index
    %get3A_1 = arith.constant 0 : index
    %get3A_2 = vector.load %arg1[%get3A, %get3A_0, %get3A_1] : memref<2x1000x128xf32, #tpu.memory_space<vmem>>, vector<1x1000x128xf32>
    %get3A_3 = vector.shape_cast %get3A_2 : vector<1x1000x128xf32> to vector<1000x128xf32>
    %get3A_4 = arith.constant 1 : index
    %get3A_5 = arith.constant 0 : index
    %get3A_6 = arith.constant 0 : index
    %get3A_7 = vector.load %arg1[%get3A_4, %get3A_5, %get3A_6] : memref<2x1000x128xf32, #tpu.memory_space<vmem>>, vector<1x1000x128xf32>
    %get3A_8 = vector.shape_cast %get3A_7 : vector<1x1000x128xf32> to vector<1000x128xf32>
    %add3A = arith.addf %get3A_3, %get3A_8 : vector<1000x128xf32>
    %max3A = arith.constant 0.000000e+00 : f32
    %max3A_9 = vector.broadcast %max3A : f32 to vector<1000x128xf32>
    %max3A_10 = arith.maximumf %add3A, %max3A_9 : vector<1000x128xf32>
    %swap3A = arith.constant 0 : index
    %swap3A_11 = arith.constant 0 : index
    %swap3A_12 = vector.load %arg2[%swap3A, %swap3A_11] : memref<1000x128xf32, #tpu.memory_space<vmem>>, vector<1000x128xf32>
    tpu.vector_store %arg2[%swap3A, %swap3A_11], %max3A_10 {strides = array<i32>} : memref<1000x128xf32, #tpu.memory_space<vmem>>, vector<1000x128xf32>,
    return
  }
  func.func @transform_0(%arg0: i32) -> (i32, i32, i32) {
    %c0_i32 = arith.constant 0 : i32
    %c0_i32_0 = arith.constant 0 : i32
    %c0_i32_1 = arith.constant 0 : i32
    return %c0_i32, %arg0, %c0_i32_0 : i32, i32, i32
  }
  func.func @transform_1(%arg0: i32) -> (i32, i32) {
    %c0_i32 = arith.constant 0 : i32
    %c0_i32_0 = arith.constant 0 : i32
    return %arg0, %c0_i32 : i32, i32
  }
}

</mosaic_0001>

<sc_bundles>
// kernel: kernel.5.cloned.1.call-start
scs
__scs_entry_jumppad:
0x0: {  	(pc) =	sbr.rel $0x88, $3  }
0x1: {  	(tag) =	ssettag $0x0;
	lr =	simm.s32 $0x1  }
0x2: {  	[smem:$0x3F9E] =	sst lr;
	_ =	strace $0xD0000000  }
0x3: {  	_ = 	snop  }
0x4: {  	_ = 	snop  }
0x5: {  	_ = 	snop  }
0x6: {  	_ = 	snop  }
0x7: {  	_ = 	snop  }
__scs_overlays_trampoline_lowered:
0x8: {  	[smem:$0x3FAD] =	sst s0  }
0x9: {  	[smem:$0x3FAE] =	sst s1  }
0xa: {  	[smem:$0x3FAF] =	sst s2  }
0xb: {  	[smem:$0x3FB0] =	sst s3  }
0xc: {  	[smem:$0x3FB1] =	sst s4  }
0xd: {  	[smem:$0x3FB2] =	sst s5  }
0xe: {  	[smem:$0x3FB3] =	sst s6  }
0xf: {  	[smem:$0x3FB4] =	sst s7  }
0x10: {  	[smem:$0x3FB5] =	sst s8  }
0x11: {  	[smem:$0x3FB6] =	sst s9;
	s0 =	simm.s32 @!p0 $0x0  }
0x12: {  	s1 =	sld [smem:$0x3F9C];
	s0 =	simm.s32 @p0 $0x1  }
0x13: {  	[smem:$0x3FB7] =	sst s0;
	s0 =	simm.s32 @!p1 $0x0  }
0x14: {  	s2 =	sld [smem:$0x3F9B];
	s0 =	simm.s32 @p1 $0x1  }
0x15: {  	[smem:$0x3FB8] =	sst s0;
	s0 =	simm.s32 @!p2 $0x0  }
0x16: {  	s3 =	sld [smem:$0x3FDB];
	s0 =	simm.s32 @p2 $0x1  }
0x17: {  	s4 =	simm.s32 $0x1BF5;
	[smem:$0x3FBA] =	sst s0  }
0x18: {  	s0 =	sld [smem:$0x3F9D];
	_ =	swait.ge [sflag:s4], $0x0  }
0x19: {  	s7 =	sld [smem:$0x3F9E]  }
0x1a: {  	s8 =	sadd.s32 $0xFFFFE003, lr  }
0x1b: {  	s9 =	sadd.s32 $0xFFFFFEF7, lr;
	s5 =	simm.s32 $0xFFFFFFFF;
	p2 =	slt.u32 s8, $0xFFFFF086  }
0x1c: {  	p1 =	slt.u32 s9, $0xF7A;
	s5 =	simm.s32 @!p2 $0x0  }
0x1d: {  	s5 =	simm.s32 @p1 $0x1;
	p0 =	seq.s32 s7, s2  }
0x1e: {  	s7 =	smul.u32 @!p0 $0xF7A, s2;
	p2 =	seq.s32 @!p0 s5, $0x0  }
0x1f: {  	s9 =	smul.u32 $0xF7A, s1;
	s8 =	simm.s32 @!p0 $0x1BF5;
	p2 =	por !p2, p0  }
0x20: {  	[sflag:s8] =	ssyncset.s32 @!p0 $0xFFFFF086;
	s6 =	sadd.s32 @!p0 s3, s7;
	s7 =	simm.s32 @!p0 $0x108  }
0x21: {  	s3 =	sadd.s32 s3, s9;
	s6 =	sadd.s32 @!p0 $0x88, s6;
	s7 =	simm.s32 @p2 $0x1082  }
0x22: {  	[simem:s7], [sflag:s8] =	dma.local @!p0 [hbm:s6], $0xF7A  }
0x23: {  	s9 =	sor.u32 $0xD0000000, s2;
	s6 =	simm.s32 $0x108;
	_ =	swait.ge @!p0 [sflag:s8], $0x0  }
0x24: {  	s3 =	sadd.s32 $0x88, s3;
	s6 =	simm.s32 @!p1 $0x1082;
	[sflag:s4] =	ssyncset.s32 $0xFFFFF086  }
0x25: {  	[simem:s6], [sflag:s4] =	dma.local [hbm:s3], $0xF7A  }
0x26: {  	[smem:$0x3F9E] =	sst s1;
	(tag) =	ssettag s2;
	_ =	strace s9  }
0x27: {  	s1 =	sld [smem:$0x3FAE]  }
0x28: {  	s2 =	sld [smem:$0x3FAF]  }
0x29: {  	s4 =	sld [smem:$0x3FB1]  }
0x2a: {  	p0 =	seq.s32 s5, $0x0;
	s5 =	sld [smem:$0x3FB2]  }
0x2b: {  	s6 =	sld [smem:$0x3FB3]  }
0x2c: {  	s7 =	sld [smem:$0x3FB4]  }
0x2d: {  	s3 =	simm.s32 $0x108;
	s8 =	sld [smem:$0x3FB5]  }
0x2e: {  	s3 =	simm.s32 @!p0 $0x1082;
	s9 =	sld [smem:$0x3FB6]  }
0x2f: {  	lr =	sadd.s32 s0, s3;
	s0 =	sld [smem:$0x3FAD]  }
0x30: {  	s3 =	sld [smem:$0x3FB0]  }
0x31: {  	[smem:$0x3FB9] =	sst s10  }
0x32: {  	s10 =	sld [smem:$0x3FB7];
	_ =	sdelay $0x3  }
0x33: {  	p0 =	seq.s32 s10, $0x1;
	s10 =	sld [smem:$0x3FB9];
	_ =	sdelay $0x3  }
0x34: {  	[smem:$0x3FB9] =	sst s10  }
0x35: {  	s10 =	sld [smem:$0x3FB8];
	_ =	sdelay $0x3  }
0x36: {  	p1 =	seq.s32 s10, $0x1;
	s10 =	sld [smem:$0x3FB9];
	_ =	sdelay $0x3  }
0x37: {  	[smem:$0x3FB9] =	sst s10  }
0x38: {  	s10 =	sld [smem:$0x3FBA]  }
0x39: {  	_ = 	snop;
	(pc) =	sbr.ind lr, $3  }
0x3a: {  	_ = 	snop  }
0x3b: {  	_ = 	snop  }
0x3c: {  	p2 =	seq.s32 s10, $0x1;
	s10 =	sld [smem:$0x3FB9]  }
0x3d: {  	_ =	shalt  }
0x3e: {  	_ =	shalt  }
0x3f: {  	_ =	shalt  }
0x40: {  	_ =	shalt  }
0x41: {  	_ =	shalt  }
0x42: {  	_ =	shalt  }
0x43: {  	_ =	shalt  }
0x44: {  	_ =	shalt  }
0x45: {  	_ =	shalt  }
0x46: {  	_ =	shalt  }
0x47: {  	_ =	shalt  }
0x48: {  	_ =	shalt  }
0x49: {  	_ =	shalt  }
0x4a: {  	_ =	shalt  }
0x4b: {  	_ =	shalt  }
0x4c: {  	_ =	shalt  }
0x4d: {  	_ =	shalt  }
0x4e: {  	_ =	shalt  }
0x4f: {  	_ =	shalt  }
0x50: {  	_ =	shalt  }
0x51: {  	_ =	shalt  }
0x52: {  	_ =	shalt  }
0x53: {  	_ =	shalt  }
0x54: {  	_ =	shalt  }
0x55: {  	_ =	shalt  }
0x56: {  	_ =	shalt  }
0x57: {  	_ =	shalt  }
0x58: {  	_ =	shalt  }
0x59: {  	_ =	shalt  }
0x5a: {  	_ =	shalt  }
0x5b: {  	_ =	shalt  }
0x5c: {  	_ =	shalt  }
0x5d: {  	_ =	shalt  }
0x5e: {  	_ =	shalt  }
0x5f: {  	_ =	shalt  }
0x60: {  	_ =	shalt  }
0x61: {  	_ =	shalt  }
0x62: {  	_ =	shalt  }
0x63: {  	_ =	shalt  }
0x64: {  	_ =	shalt  }
0x65: {  	_ =	shalt  }
0x66: {  	_ =	shalt  }
0x67: {  	_ =	shalt  }
0x68: {  	_ =	shalt  }
0x69: {  	_ =	shalt  }
0x6a: {  	_ =	shalt  }
0x6b: {  	_ =	shalt  }
0x6c: {  	_ =	shalt  }
0x6d: {  	_ =	shalt  }
0x6e: {  	_ =	shalt  }
0x6f: {  	_ =	shalt  }
0x70: {  	_ =	shalt  }
0x71: {  	_ =	shalt  }
0x72: {  	_ =	shalt  }
0x73: {  	_ =	shalt  }
0x74: {  	_ =	shalt  }
0x75: {  	_ =	shalt  }
0x76: {  	_ =	shalt  }
0x77: {  	_ =	shalt  }
0x78: {  	_ =	shalt  }
0x79: {  	_ =	shalt  }
0x7a: {  	_ =	shalt  }
0x7b: {  	_ =	shalt  }
0x7c: {  	_ =	shalt  }
0x7d: {  	_ =	shalt  }
0x7e: {  	_ =	shalt  }
0x7f: {  	_ =	shalt  }
0x80: {  	_ =	shalt  }
0x81: {  	_ =	shalt  }
0x82: {  	_ =	shalt  }
0x83: {  	_ =	shalt  }
0x84: {  	_ =	shalt  }
0x85: {  	_ =	shalt  }
0x86: {  	_ =	shalt  }
0x87: {  	_ =	shalt  }
.Lfunc_end0:
.L_simem_size_0:
called_computation_lowered:
.L_overlay_start_0:
0x88: {  	s2 =	sld [smem:$0x3FD9]  }
0x89: {  	s3 =	sld [smem:$0x3FFE];
	_ =	sdelay $0x1  }
0x8a: {  	s1 =	srdreg.scid  }
0x8b: {  	s0 =	sand.u32 $0x1, s1  }
0x8c: {  	s17 =	sshll.u32 s0, $0xA;
	s2 =	sadd.s32 s3, s2  }
0x8d: {  	s2 =	sadd.s32 s2, s17  }
0x8e: {  	[smem:$0x3FC5] =	sst s2  }
0x8f: {  	_ = 	snop  }
0x90: {  	s2 =	sld [smem:$0x3FD0];
	(tm) =	ssettm $0x1  }
0x91: {  	s18 =	sld [smem:$0x3FFB];
	_ =	sdelay $0x3  }
0x92: {  	_ =	strace s18  }
0x93: {  	s3 =	sld [smem:$0x3FFC];
	_ =	sdelay $0x3  }
0x94: {  	_ =	strace s3  }
0x95: {  	s3 =	sld [smem:$0x3FFD];
	_ =	sdelay $0x3  }
0x96: {  	_ =	strace s3  }
0x97: {  	_ =	strace $0x8FFFFFFF  }
0x98: {  	s19 =	sld [smem:$0x3FDB];
	_ =	sdelay $0x1  }
0x99: {  	s4 =	simm.s32 $_scs_section_size  }
0x9a: {  	s5 =	simm.s32 $_size__tile_overlayer_lowered;
	s6 =	simm.s32 $_tile_overlayer_lowered  }
0x9b: {  	s22 =	simm.s32 $0x1BFF;
	s21 =	sshll.u32 s6, $0x1;
	s3 =	sadd.s32 s4, s19  }
0x9c: {  	s7 =	simm.s32 $0x0;
	s20 =	sshll.u32 s5, $0x1;
	s5 =	sadd.s32 s21, s3  }
0x9d: {  	[timem:s7], [sflag:s22] =	dma.local [hbm:s5], s20  }
0x9e: {  	_ =	swait.ge [sflag:s22], s20  }
0x9f: {  	s4 =	ssub.s32 $0x0, s20;
	[sflag:s22] =	ssyncset.done $0x0  }
0xa0: {  	[sflag:s22] =	ssyncadd.s32 s4;
	_ =	sdelay $0x1  }
0xa1: {  	s23 =	simm.s32 $0x1B8B  }
0xa2: {  	_ =	swait.ge [sflag:s23], $0x1  }
0xa3: {  	[sflag:s23] =	ssyncset.done $0x0  }
0xa4: {  	s25 =	simm.s32 $0x1B8E;
	s24 =	sld [smem:$0x3FFE];
	[sflag:s23] =	ssyncadd.s32 $0xFFFFFFFF  }
0xa5: {  	s26 =	simm.s32 $execute0_lowered;
	[smem:$0x3FD2] =	sst s25  }
0xa6: {  	s5 =	sshll.u32 s26, $0x1;
	_ =	strace $0x80000046;
	[dreg:$0x1] =	wrdreg $0xFFFFFFFF  }
0xa7: {  	s28 =	simm.s32 $_size_execute0_lowered;
	s3 =	sadd.s32 s3, s5;
	[dreg:$0x0] =	wrdreg $0x0  }
0xa8: {  	s5 =	sshll.u32 s28, $0x1;
	[dreg:$0x2] =	wrdreg s3  }
0xa9: {  	[dreg:$0x3] =	wrdreg s5  }
0xaa: {  	[dreg:$0x4] =	wrdreg $0xC0  }
0xab: {  	_ =	task [dreg:s7], $0x5FFFF  }
0xac: {  	[dreg:$0x1] =	wrdreg $0xFFFFFFFF  }
0xad: {  	[dreg:$0x0] =	wrdreg $0x60  }
0xae: {  	[dreg:$0x2] =	wrdreg s24  }
0xaf: {  	[dreg:$0x3] =	wrdreg s2  }
0xb0: {  	[dreg:$0x4] =	wrdreg $0x9D000  }
0xb1: {  	[dreg:$0x5] =	wrdreg $0x9  }
0xb2: {  	_ =	task.clear_ibuf [dreg:s7], $0x6FFFF;
	_ =	strace $0x90000046  }
0xb3: {  	s29 =	simm.s32 $0x9;
	_ =	strace $0x80000048  }
0xb4: {  	_ =	swait.ge [sflag:s29], $0x1  }
0xb5: {  	[sflag:s29] =	ssyncadd.s32 $0xFFFFFFFF  }
0xb6: {  	_ =	strace $0x90000048  }
0xb7: {  	_ =	sfence  }
0xb8: {  	s30 =	sld [smem:$0x0];
	_ =	sdelay $0x2  }
0xb9: {  	s31 =	sshll.u32 s1, $0xD;
	s1 =	sshrl.u32 s1, $0x2  }
0xba: {  	s3 =	sand.u32 $0x4000, s31;
	s1 =	sadd.s32 s1, s30  }
0xbb: {  	s0 =	sor.u32 s3, s0;
	s1 =	sshll.u32 s1, $0x11  }
0xbc: {  	s0 =	sor.u32 s1, s0  }
0xbd: {  	s0 =	sadd.s32 $0x8F2B, s0  }
0xbe: {  	[sflag:s0] =	ssyncadd.remote.s32 $0x1  }
0xbf: {  	_ =	sfence.sel $0xFFFF  }
0xc0: {  	[dreg:$0x0] =	wrdreg $0xFFFFFFFF;
	(pc) =	sbr.abs _section_cstart, $3  }
0xc1: {  	[dreg:$0x1] =	wrdreg $0xFFFFFFFF  }
0xc2: {  	_ =	task.clear_ibuf [dreg:s7], $0x2FFFF;
	_ =	strace $0x9FFFFFFF  }
0xc3: {  	(tm) =	ssettm $0x7FFFFFFF  }
tec
execute0_lowered:
.L_overlay_start_1:
0x0: {  	(tag) =	ssettag $0x1  }
0x1: {  	s1 =	rddreg [dreg:$0x0]  }
0x2: {  	s0 =	srdreg.scid;
	s2 =	rddreg [dreg:$0x1]  }
0x3: {  	s16 =	stileid.u32;
	s3 =	rddreg [dreg:$0x2];
	s18 =	simm.s32 $0x7  }
0x4: {  	s19 =	simm.s32 $0x80;
	s20 =	simm.s32 $0x1;
	s21 =	simm.s32 $0x64  }
0x5: {  	s22 =	simm.s32 $0x3500;
	s28 =	simm.s32 $0x4;
	s8 =	smul.u32 $0x1F400, s16  }
0x6: {  	s29 =	simm.s32 $0x6;
	s0 =	sand.u32 $0x1, s0;
	s10 =	smul.u32 $0x7D000, s16  }
0x7: {  	s12 =	sadd.s32 $0xD400, s1;
	s26 =	smul.u32 $0x64, s16;
	p0 =	sgt.u32 s16, $0x9  }
0x8: {  	s4 =	sshll.u32 s0, $0x4;
	s7 =	smul.u32 $0x138800, s0;
	s11 =	ssub.s32 $0x2, s0  }
0x9: {  	s0 =	smul.u32 $0x640, s0;
	s6 =	sor.u32 s16, s4;
	s4 =	simm.s32 $0x0  }
0xa: {  	s24 =	sshrl.u32 s11, $0x1;
	s25 =	sshrl.u32 s10, $0x2;
	s5 =	smul.u32 $0x680, s6  }
0xb: {  	[smem:$0x7FF] =	sst s4;
	s7 =	sadd.s32 s8, s7;
	s23 =	smul.u32 $0x640, s6  }
0xc: {  	s13 =	smul.u32 $0x3200, s6;
	s14 =	ssub.s32 s11, s24;
	s15 =	sadd.s32 s25, s3  }
0xd: {  	s0 =	sadd.s32 s26, s0;
	s24 =	simm.s32 $0x2;
	s25 =	simm.s32 $0x6900  }
0xe: {  	s26 =	simm.s32 $0x5;
	_ =	strace $0x80000047;
	s7 =	sshrl.u32 s7, $0x3  }
0xf: {  	s0 =	sshll.u32 s0, $0x4;
	s17 =	sshrl.u32 @!p0 s15, $0x3;
	s15 =	simm.s32 $0x0  }
0x10: {  	s9 =	sadd.s32 s5, s1;
	s5 =	sadd.s32 $0x19C00, s1;
	s1 =	sadd.s32 s7, s1  }
0x11: {  	s7 =	sadd.s32 s12, s23;
	s30 =	sshrl.u32 s13, $0x3;
	s0 =	sadd.s32 s0, s12  }
0x12: {  	s23 =	simm.s32 $0x3;
	s6 =	sadd.s32 $0x400, s9;
	s8 =	sadd.s32 $0x10, s7  }
0x13: {  	s9 =	sadd.s32 $0x20, s7;
	s31 =	sadd.s32 s12, s30;
	s12 =	smax.u32 s14, $0x1  }
0x14: {  	s13 =	sadd.s32 $0x40, s0;
	s14 =	sadd.s32 $0x30, s0;
	s0 =	sshll.u32 @!p0 s16, $0x6  }
0x15: {  	s11 =	sadd.s32 $0x1DC00, s1;
	s10 =	sadd.s32 $0x630, s31;
	s16 =	sor.u32 @!p0 $0x1C08, s0  }
.LBB2_1:
0x16: {  	s0 =	simm.s32 $0x100;
	s1 =	simm.s32 @!p0 $0x8  }
0x17: {  	[tilespmem:s0], [sflag:$0x7] =	stream.linear.gather [hbm4b:s6+s4], $0x3200, $0x38;
	[tilespmem:$0x1D580] =	vst v63  }
0x18: {  	[spmem:s17], [sflag:s16] =	dma.local @!p0 [hbm:s5], $0x3E80  }
0x19: {  	_ =	swait.ge @!p0 [sflag:s1], $0x3E80  }
0x1a: {  	[sflag:s1] =	ssyncset.done @!p0 $0x0  }
0x1b: {  	[sflag:s1] =	ssyncadd.s32 @!p0 $0xFFFFC180  }
0x1c: {  	_ =	swait.ge [sflag:s18], $0x3200  }
0x1d: {  	[sflag:s18] =	ssyncset.done $0x0  }
0x1e: {  	[sflag:s18] =	ssyncadd.s32 $0xFFFFCE00  }
0x1f: {  	[bflag:$0x0] =	sbarrier.arrive $0xFFFF  }
0x20: {  	[tilespmem:s4], [sflag:$0x1] =	stream.linear.gather [hbm4b:s7+s4], $0x80, $0x38;
	[tilespmem:$0x1D580] =	vst v63  }
0x21: {  	_ = 	snop  }
0x22: {  	[tilespmem:s19], [sflag:$0x2] =	stream.linear.gather [hbm4b:s8+s4], $0x80, $0x38;
	[tilespmem:$0x1D580] =	vst v63  }
0x23: {  	_ =	swait.ge [sflag:s20], $0x80  }
0x24: {  	[sflag:s20] =	ssyncset.done $0x0  }
0x25: {  	[sflag:s20] =	ssyncadd.s32 $0xFFFFFF80  }
0x26: {  	[tilespmem:s22], [sflag:$0x3] =	stream.indirect.gather [hbm4b:s2+s21], $0x80, s4, s21, $0xb8;
	[tilespmem:$0x1D580] =	vst v63  }
0x27: {  	_ =	swait.ge [sflag:s23], $0x3200  }
0x28: {  	[sflag:s23] =	ssyncset.done $0x0  }
0x29: {  	[sflag:s23] =	ssyncadd.s32 $0xFFFFCE00  }
0x2a: {  	[tilespmem:s4], [sflag:$0x1] =	stream.linear.gather [hbm4b:s9+s4], $0x80, $0x38;
	[tilespmem:$0x1D580] =	vst v63  }
0x2b: {  	s0 =	simm.s32 $0x100  }
0x2c: {  	[spmem:s3] =	stream.indirect.scatter.add.f32 [tilespmem:s22], [sflag:$0x5], $0x80, s0, s21, $0xb8;
	[tilespmem:$0x1D580] =	vst v63  }
0x2d: {  	_ =	swait.ge [sflag:s24], $0x80  }
0x2e: {  	[sflag:s24] =	ssyncset.done $0x0  }
0x2f: {  	[sflag:s24] =	ssyncadd.s32 $0xFFFFFF80  }
0x30: {  	[tilespmem:s25], [sflag:$0x4] =	stream.indirect.gather [hbm4b:s2+s21], $0x80, s19, s21, $0xb8;
	[tilespmem:$0x1D580] =	vst v63  }
0x31: {  	_ =	swait.ge [sflag:s26], $0x3200  }
0x32: {  	[sflag:s26] =	ssyncset.done $0x0  }
0x33: {  	[sflag:s26] =	ssyncadd.s32 $0xFFFFCE00  }
0x34: {  	_ =	swait.ge [sflag:s28], $0x3200  }
0x35: {  	[sflag:s28] =	ssyncset.done $0x0  }
0x36: {  	s0 =	sadd.s32 $0x0, s14;
	[sflag:s28] =	ssyncadd.s32 $0xFFFFCE00  }
0x37: {  	[tilespmem:s19], [sflag:$0x2] =	stream.linear.gather [hbm4b:s0+s4], $0x80, $0x38;
	[tilespmem:$0x1D580] =	vst v63  }
0x38: {  	s0 =	simm.s32 $0x180  }
0x39: {  	[spmem:s3] =	stream.indirect.scatter.add.f32 [tilespmem:s25], [sflag:$0x6], $0x80, s0, s21, $0xb8;
	[tilespmem:$0x1D580] =	vst v63  }
0x3a: {  	_ =	swait.ge [sflag:s20], $0x80  }
0x3b: {  	[sflag:s20] =	ssyncset.done $0x0  }
0x3c: {  	[sflag:s20] =	ssyncadd.s32 $0xFFFFFF80  }
0x3d: {  	[tilespmem:s22], [sflag:$0x3] =	stream.indirect.gather [hbm4b:s2+s21], $0x80, s4, s21, $0xb8;
	[tilespmem:$0x1D580] =	vst v63  }
0x3e: {  	_ =	swait.ge [sflag:s29], $0x3200  }
0x3f: {  	[sflag:s29] =	ssyncset.done $0x0  }
0x40: {  	[sflag:s29] =	ssyncadd.s32 $0xFFFFCE00  }
0x41: {  	_ =	swait.ge [sflag:s23], $0x3200  }
0x42: {  	s30 =	simm.s32 $0x20;
	[sflag:s23] =	ssyncset.done $0x0  }
0x43: {  	s31 =	simm.s32 $0x280;
	s1 =	sadd.s32 $0x0, s13;
	[sflag:s23] =	ssyncadd.s32 $0xFFFFCE00  }
.LBB2_2:
0x44: {  	[tilespmem:s4], [sflag:$0x1] =	stream.linear.gather [hbm4b:s1+s4], $0x80, $0x38;
	[tilespmem:$0x1D580] =	vst v63  }
0x45: {  	s1 =	smov.u32 s30  }
0x46: {  	s0 =	sadd.s32 $0xFFFFFF80, s31;
	p1 =	sne.s32 s30, $0x5E0;
	s30 =	sadd.s32 $0x20, s30  }
0x47: {  	[spmem:s3] =	stream.indirect.scatter.add.f32 [tilespmem:s22], [sflag:$0x5], $0x80, s0, s21, $0xb8;
	[tilespmem:$0x1D580] =	vst v63  }
0x48: {  	_ =	swait.ge [sflag:s24], $0x80  }
0x49: {  	[sflag:s24] =	ssyncset.done $0x0  }
0x4a: {  	[sflag:s24] =	ssyncadd.s32 $0xFFFFFF80  }
0x4b: {  	[tilespmem:s25], [sflag:$0x4] =	stream.indirect.gather [hbm4b:s2+s21], $0x80, s19, s21, $0xb8;
	[tilespmem:$0x1D580] =	vst v63  }
0x4c: {  	_ =	swait.ge [sflag:s26], $0x3200  }
0x4d: {  	[sflag:s26] =	ssyncset.done $0x0  }
0x4e: {  	[sflag:s26] =	ssyncadd.s32 $0xFFFFCE00  }
0x4f: {  	_ =	swait.ge [sflag:s28], $0x3200  }
0x50: {  	[sflag:s28] =	ssyncset.done $0x0  }
0x51: {  	s0 =	sadd.s32 s1, s14;
	[sflag:s28] =	ssyncadd.s32 $0xFFFFCE00  }
0x52: {  	[tilespmem:s19], [sflag:$0x2] =	stream.linear.gather [hbm4b:s0+s4], $0x80, $0x38;
	[tilespmem:$0x1D580] =	vst v63  }
0x53: {  	_ = 	snop  }
0x54: {  	[spmem:s3] =	stream.indirect.scatter.add.f32 [tilespmem:s25], [sflag:$0x6], $0x80, s31, s21, $0xb8;
	[tilespmem:$0x1D580] =	vst v63  }
0x55: {  	_ =	swait.ge [sflag:s20], $0x80  }
0x56: {  	[sflag:s20] =	ssyncset.done $0x0  }
0x57: {  	[sflag:s20] =	ssyncadd.s32 $0xFFFFFF80  }
0x58: {  	[tilespmem:s22], [sflag:$0x3] =	stream.indirect.gather [hbm4b:s2+s21], $0x80, s4, s21, $0xb8;
	[tilespmem:$0x1D580] =	vst v63  }
0x59: {  	_ =	swait.ge [sflag:s29], $0x3200  }
.Ltmp0:
0x5a: {  	[sflag:s29] =	ssyncset.done $0x0;
	(pc) =	sbr.rel @p1 .LBB2_2-.Ltmp0, $4  }
0x5b: {  	[sflag:s29] =	ssyncadd.s32 $0xFFFFCE00  }
0x5c: {  	_ =	swait.ge [sflag:s23], $0x3200  }
0x5d: {  	[sflag:s23] =	ssyncset.done $0x0  }
0x5e: {  	s1 =	sadd.s32 s1, s13;
	s31 =	sadd.s32 $0x100, s31;
	[sflag:s23] =	ssyncadd.s32 $0xFFFFCE00  }
0x5f: {  	[tilespmem:s4], [sflag:$0x1] =	stream.linear.gather [hbm4b:s1+s4], $0x80, $0x38;
	[tilespmem:$0x1D580] =	vst v63  }
0x60: {  	s0 =	simm.s32 $0x3100  }
0x61: {  	[spmem:s3] =	stream.indirect.scatter.add.f32 [tilespmem:s22], [sflag:$0x5], $0x80, s0, s21, $0xb8;
	[tilespmem:$0x1D580] =	vst v63  }
0x62: {  	_ =	swait.ge [sflag:s24], $0x80  }
0x63: {  	[sflag:s24] =	ssyncset.done $0x0  }
0x64: {  	[sflag:s24] =	ssyncadd.s32 $0xFFFFFF80  }
0x65: {  	[tilespmem:s25], [sflag:$0x4] =	stream.indirect.gather [hbm4b:s2+s21], $0x80, s19, s21, $0xb8;
	[tilespmem:$0x1D580] =	vst v63  }
0x66: {  	_ =	swait.ge [sflag:s26], $0x3200  }
0x67: {  	[sflag:s26] =	ssyncset.done $0x0  }
0x68: {  	[sflag:s26] =	ssyncadd.s32 $0xFFFFCE00  }
0x69: {  	_ =	swait.ge [sflag:s28], $0x3200  }
0x6a: {  	[sflag:s28] =	ssyncset.done $0x0  }
0x6b: {  	[sflag:s28] =	ssyncadd.s32 $0xFFFFCE00  }
0x6c: {  	[tilespmem:s19], [sflag:$0x2] =	stream.linear.gather [hbm4b:s10+s4], $0x80, $0x38;
	[tilespmem:$0x1D580] =	vst v63  }
0x6d: {  	s1 =	simm.s32 $0x3180  }
0x6e: {  	[spmem:s3] =	stream.indirect.scatter.add.f32 [tilespmem:s25], [sflag:$0x6], $0x80, s1, s21, $0xb8;
	[tilespmem:$0x1D580] =	vst v63  }
0x6f: {  	_ =	swait.ge [sflag:s20], $0x80  }
0x70: {  	[sflag:s20] =	ssyncset.done $0x0  }
0x71: {  	[sflag:s20] =	ssyncadd.s32 $0xFFFFFF80  }
0x72: {  	[tilespmem:s22], [sflag:$0x3] =	stream.indirect.gather [hbm4b:s2+s21], $0x80, s4, s21, $0xb8;
	[tilespmem:$0x1D580] =	vst v63  }
0x73: {  	_ =	swait.ge [sflag:s29], $0x3200  }
0x74: {  	[sflag:s29] =	ssyncset.done $0x0  }
0x75: {  	[sflag:s29] =	ssyncadd.s32 $0xFFFFCE00  }
0x76: {  	_ =	swait.ge [sflag:s23], $0x3200  }
0x77: {  	[sflag:s23] =	ssyncset.done $0x0  }
0x78: {  	s30 =	simm.s32 $0x3200;
	[sflag:s23] =	ssyncadd.s32 $0xFFFFCE00  }
0x79: {  	[spmem:s3] =	stream.indirect.scatter.add.f32 [tilespmem:s22], [sflag:$0x5], $0x80, s30, s21, $0xb8;
	[tilespmem:$0x1D580] =	vst v63  }
0x7a: {  	_ =	swait.ge [sflag:s24], $0x80  }
0x7b: {  	[sflag:s24] =	ssyncset.done $0x0  }
0x7c: {  	[sflag:s24] =	ssyncadd.s32 $0xFFFFFF80  }
0x7d: {  	[tilespmem:s25], [sflag:$0x4] =	stream.indirect.gather [hbm4b:s2+s21], $0x80, s19, s21, $0xb8;
	[tilespmem:$0x1D580] =	vst v63  }
0x7e: {  	_ =	swait.ge [sflag:s26], $0x3200  }
0x7f: {  	[sflag:s26] =	ssyncset.done $0x0  }
0x80: {  	[sflag:s26] =	ssyncadd.s32 $0xFFFFCE00  }
0x81: {  	_ =	swait.ge [sflag:s28], $0x3200  }
0x82: {  	[sflag:s28] =	ssyncset.done $0x0  }
0x83: {  	s31 =	simm.s32 $0x3280;
	[sflag:s28] =	ssyncadd.s32 $0xFFFFCE00  }
0x84: {  	[spmem:s3] =	stream.indirect.scatter.add.f32 [tilespmem:s25], [sflag:$0x6], $0x80, s31, s21, $0xb8;
	[tilespmem:$0x1D580] =	vst v63  }
0x85: {  	_ =	swait.ge [sflag:s29], $0x3200  }
0x86: {  	s15 =	sadd.s32 $0x1, s15;
	[sflag:s29] =	ssyncset.done $0x0  }
0x87: {  	p1 =	sne.s32 s15, s12;
	[sflag:s29] =	ssyncadd.s32 $0xFFFFCE00  }
.Ltmp1:
0x88: {  	s0 =	simm.s32 @!p0 $0x8;
	[bflag:$0x0] =	sbarrier.arrive $0xFFFF;
	(pc) =	sbr.rel @p1 .LBB2_1-.Ltmp1, $4  }
0x89: {  	[hbm:s11], [sflag:s16] =	dma.local @!p0 [spmem:s17], $0x3E80  }
0x8a: {  	_ =	swait.ge @!p0 [sflag:s0], $0x3E80  }
0x8b: {  	[sflag:s0] =	ssyncset.done @!p0 $0x0  }
0x8c: {  	[sflag:s0] =	ssyncadd.s32 @!p0 $0xFFFFC180  }
0x8d: {  	_ =	sfence.sel $0x180000  }
0x8e: {  	[bflag:$0x0] =	sbarrier.arrive $0xFFFF  }
0x8f: {  	_ =	strace $0x90000047  }
0x90: {  	s0 =	stileid.u32;
	[bflag:$0x2] =	sbarrier.arrive $0xFFFF  }
0x91: {  	p0 =	sne.s32 s0, $0x0;
	s0 =	rddreg [dreg:$0x3]  }
0x92: {  	s0 =	sadd.s32 @!p0 $0x100000, s0  }
0x93: {  	[sflag:s0] =	ssyncadd.tile.s32 @!p0 $0x1;
	_ =	shalt  }
.Lfunc_end2:
_tile_overlayer_lowered:
.L_overlay_start_2:
0x94: {  	(tag) =	ssettag $0x2  }
0x95: {  	s0 =	rddreg [dreg:$0x0];
	s2 =	stileid.u32  }
0x96: {  	s1 =	rddreg [dreg:$0x1];
	p0 =	sne.s32 s2, $0x0  }
0x97: {  	s3 =	rddreg [dreg:$0x2];
	[bflag:$0x3] =	sbarrier.arrive $0xFFFF;
	s2 =	simm.s32 @!p0 $0x1C08  }
0x98: {  	[timem:s3], [sflag:s2] =	dma.local @!p0 [hbm:s0], s1  }
0x99: {  	s0 =	simm.s32 @!p0 $0x8  }
0x9a: {  	_ =	swait.ge @!p0 [sflag:s0], s1  }
0x9b: {  	s1 =	ssub.s32 @!p0 $0x0, s1;
	[sflag:s0] =	ssyncset.done @!p0 $0x0  }
0x9c: {  	[sflag:s0] =	ssyncadd.s32 @!p0 s1  }
0x9d: {  	[bflag:$0x3] =	sbarrier.arrive $0xFFFF  }
0x9e: {  	_ =	shalt  }

</sc_bundles>
